<compile_context>
chip_gen: v7x
topology: tpu7x:2x2x1
jax: 0.10.2.dev20260603
libtpu: 0.0.44.dev20260713+nightly
codegen_flags: <defaults>
</compile_context>

<pallas_src>
import functools
import jax
import jax.numpy as jnp
from jax import lax
from jax.experimental import pallas as pl
from jax.experimental.pallas import tpu as pltpu
from jax.experimental.pallas import tpu_sc as plsc

D_MODEL = 128

_info = plsc.get_sparse_core_info()
_NC, _NS = _info.num_cores, _info.num_subcores
_NW = _NC * _NS

_NBUF = 8


@functools.partial(jax.jit, static_argnames=("b_per_w", "chunk"))
def _gather_rows(flat_idx, table, b_per_w, chunk):
    n_chunks = b_per_w // chunk
    n_grp = n_chunks // _NBUF
    n_rows = table.shape[0]
    stage_rows = n_rows // 5
    mesh = plsc.VectorSubcoreMesh(core_axis_name="c", subcore_axis_name="s")

    @functools.partial(
        pl.kernel,
        mesh=mesh,
        out_type=jax.ShapeDtypeStruct((flat_idx.shape[0], D_MODEL), jnp.float32),
        scratch_types=[pltpu.VMEM((chunk,), jnp.int32)] * _NBUF
        + [pltpu.VMEM((_NBUF, chunk, D_MODEL), jnp.float32)]
        + [pltpu.VMEM_SHARED(table.shape, jnp.float32)]
        + [pltpu.SemaphoreType.DMA] * (3 * _NBUF),
    )
    def k(idx_hbm, table_hbm, out_hbm, *scratch):
        idx_slots = scratch[0:_NBUF]
        rows_v = scratch[_NBUF]
        table_sp = scratch[_NBUF + 1]
        sems = scratch[_NBUF + 2 :]
        isems = sems[0:_NBUF]
        gsems = sems[_NBUF : 2 * _NBUF]
        osems = sems[2 * _NBUF : 3 * _NBUF]
        sid = lax.axis_index("s")
        wid = sid * _NC + lax.axis_index("c")
        base = wid * b_per_w

        @pl.when(sid < 5)
        def _():
            r0 = sid * stage_rows
            pltpu.sync_copy(
                table_hbm.at[pl.ds(r0, stage_rows)],
                table_sp.at[pl.ds(r0, stage_rows)],
            )

        plsc.subcore_barrier()

        for b in range(_NBUF):
            pltpu.make_async_copy(
                idx_hbm.at[pl.ds(base + b * chunk, chunk)], idx_slots[b], isems[b]
            ).start()

        def body(g, carry):
            for b in range(_NBUF):
                jj = g * _NBUF + b
                off = base + jj * chunk
                pltpu.make_async_copy(
                    idx_hbm.at[pl.ds(off, chunk)], idx_slots[b], isems[b]
                ).wait()

                @pl.when(g > 0)
                def _():
                    pltpu.make_async_copy(
                        rows_v.at[b],
                        out_hbm.at[pl.ds(off - _NBUF * chunk, chunk)],
                        osems[b],
                    ).wait()

                pltpu.make_async_copy(
                    table_sp.at[idx_slots[b]], rows_v.at[b], gsems[b]
                ).start()

                pb = (b - 1) % _NBUF

                def prev_ops(off=off, pb=pb, jj=jj):
                    pltpu.make_async_copy(
                        table_sp.at[idx_slots[pb]], rows_v.at[pb], gsems[pb]
                    ).wait()
                    pltpu.make_async_copy(
                        rows_v.at[pb],
                        out_hbm.at[pl.ds(off - chunk, chunk)],
                        osems[pb],
                    ).start()

                    @pl.when(jj + _NBUF - 1 < n_chunks)
                    def _():
                        pltpu.make_async_copy(
                            idx_hbm.at[pl.ds(off + (_NBUF - 1) * chunk, chunk)],
                            idx_slots[pb],
                            isems[pb],
                        ).start()

                if b == 0:
                    pl.when(g > 0)(prev_ops)
                else:
                    prev_ops()

            return carry

        lax.fori_loop(0, n_grp, body, 0)

        last = n_chunks - 1
        pltpu.make_async_copy(
            table_sp.at[idx_slots[_NBUF - 1]], rows_v.at[_NBUF - 1], gsems[_NBUF - 1]
        ).wait()
        pltpu.make_async_copy(
            rows_v.at[_NBUF - 1],
            out_hbm.at[pl.ds(base + last * chunk, chunk)],
            osems[_NBUF - 1],
        ).start()
        for b in range(_NBUF):
            jj = n_chunks - _NBUF + b
            pltpu.make_async_copy(
                rows_v.at[b], out_hbm.at[pl.ds(base + jj * chunk, chunk)], osems[b]
            ).wait()

    return k(flat_idx, table)


def kernel(gene_pos, pe):
    table = pe.reshape(pe.shape[0], D_MODEL)
    flat_idx = gene_pos.reshape(-1)
    b = flat_idx.shape[0]
    b_per_w = b // _NW
    out = _gather_rows(flat_idx, table, b_per_w, 64)
    return out.reshape(gene_pos.shape + (D_MODEL,))

# --- scband reference (transcript-rebuilt; emitter-appended) ---
"""Pipeline reference for scband-positional-encoding-74071005987078 (READ-ONLY COPY).

The authoritative reference and input builder live on the scoring server;
editing this copy changes nothing except your own understanding.
"""

import math
import jax, jax.numpy as jnp
import numpy as np

D_MODEL = 128
GENE_POS_ENC = list(range(1, 1001))

def _build_pe(d_model, gene_pos_enc):
    max_len = max(gene_pos_enc)
    position = np.arange(max_len, dtype=np.float32)[:, None]
    div_term = np.exp(np.arange(0, d_model, 2, dtype=np.float32) * (-math.log(10000.0) / d_model))
    pe = np.zeros((max_len, 1, d_model), dtype=np.float32)
    pe[:, 0, 0::2] = np.sin(position * div_term)
    pe[:, 0, 1::2] = np.cos(position * div_term)
    arr = np.stack([pe[v - 1] for v in gene_pos_enc], axis=0)  # [num_tokens, 1, d_model]
    return jnp.asarray(arr)

def setup_inputs(seed: int = 0) -> dict:
    key = jax.random.key(seed)
    pe = _build_pe(D_MODEL, GENE_POS_ENC)
    gene_pos = jax.random.randint(key, (4096, 200), 0, len(GENE_POS_ENC), dtype=jnp.int32)
    return {"gene_pos": gene_pos, "pe": pe}

def reference(gene_pos, pe):
    flat = gene_pos.reshape(-1)
    out = jnp.take(pe, flat, axis=0)  # [N, 1, d_model]
    return out.reshape(gene_pos.shape + (-1,))  # [..., d_model]

if __name__ == "__main__":
    import jax
    _d = setup_inputs()
    print(jax.jit(kernel)(*tuple(_d.values())))

</pallas_src>

<mosaic_0001>
#map = affine_map<(d0, d1) -> (0)>
#map1 = affine_map<(d0, d1) -> (0, 0)>
module attributes {stable_mosaic.version = 14 : i64} {
  func.func @k(%arg0: i32, %arg1: i32, %arg2: memref<819200xi32, #tpu.memory_space<hbm>>, %arg3: memref<1000x128xf32, #tpu.memory_space<hbm>>, %arg4: memref<819200x128xf32, #tpu.memory_space<hbm>>, %arg5: memref<64xi32, #tpu.memory_space<vmem>>, %arg6: memref<64xi32, #tpu.memory_space<vmem>>, %arg7: memref<64xi32, #tpu.memory_space<vmem>>, %arg8: memref<64xi32, #tpu.memory_space<vmem>>, %arg9: memref<64xi32, #tpu.memory_space<vmem>>, %arg10: memref<64xi32, #tpu.memory_space<vmem>>, %arg11: memref<64xi32, #tpu.memory_space<vmem>>, %arg12: memref<64xi32, #tpu.memory_space<vmem>>, %arg13: memref<8x64x128xf32, #tpu.memory_space<vmem>>, %arg14: memref<1000x128xf32, #tpu.memory_space<vmem_shared>>, %arg15: memref<!tpu.dma_semaphore, #tpu.memory_space<semaphore_mem>>, %arg16: memref<!tpu.dma_semaphore, #tpu.memory_space<semaphore_mem>>, %arg17: memref<!tpu.dma_semaphore, #tpu.memory_space<semaphore_mem>>, %arg18: memref<!tpu.dma_semaphore, #tpu.memory_space<semaphore_mem>>, %arg19: memref<!tpu.dma_semaphore, #tpu.memory_space<semaphore_mem>>, %arg20: memref<!tpu.dma_semaphore, #tpu.memory_space<semaphore_mem>>, %arg21: memref<!tpu.dma_semaphore, #tpu.memory_space<semaphore_mem>>, %arg22: memref<!tpu.dma_semaphore, #tpu.memory_space<semaphore_mem>>, %arg23: memref<!tpu.dma_semaphore, #tpu.memory_space<semaphore_mem>>, %arg24: memref<!tpu.dma_semaphore, #tpu.memory_space<semaphore_mem>>, %arg25: memref<!tpu.dma_semaphore, #tpu.memory_space<semaphore_mem>>, %arg26: memref<!tpu.dma_semaphore, #tpu.memory_space<semaphore_mem>>, %arg27: memref<!tpu.dma_semaphore, #tpu.memory_space<semaphore_mem>>, %arg28: memref<!tpu.dma_semaphore, #tpu.memory_space<semaphore_mem>>, %arg29: memref<!tpu.dma_semaphore, #tpu.memory_space<semaphore_mem>>, %arg30: memref<!tpu.dma_semaphore, #tpu.memory_space<semaphore_mem>>, %arg31: memref<!tpu.dma_semaphore, #tpu.memory_space<semaphore_mem>>, %arg32: memref<!tpu.dma_semaphore, #tpu.memory_space<semaphore_mem>>, %arg33: memref<!tpu.dma_semaphore, #tpu.memory_space<semaphore_mem>>, %arg34: memref<!tpu.dma_semaphore, #tpu.memory_space<semaphore_mem>>, %arg35: memref<!tpu.dma_semaphore, #tpu.memory_space<semaphore_mem>>, %arg36: memref<!tpu.dma_semaphore, #tpu.memory_space<semaphore_mem>>, %arg37: memref<!tpu.dma_semaphore, #tpu.memory_space<semaphore_mem>>, %arg38: memref<!tpu.dma_semaphore, #tpu.memory_space<semaphore_mem>>) attributes {dimension_semantics = [#tpu.dimension_semantics<core_parallel>, #tpu.dimension_semantics<subcore_parallel>], iteration_bounds = array<i64: 2, 16>, scalar_prefetch = 0 : i64, scratch_operands = 34 : i64, tpu.core_type = #tpu.core_type<sc_vector_subcore>, window_params = [{transform_indices = #map}, {transform_indices = #map1}, {transform_indices = #map1}]} {
    %mul3A = arith.constant 2 : i32
    %mul3A_0 = arith.muli %arg1, %mul3A : i32
    %add3A = arith.addi %mul3A_0, %arg0 : i32
    %mul3A_1 = arith.constant 25600 : i32
    %mul3A_2 = arith.muli %add3A, %mul3A_1 : i32
    %lt3A = arith.constant 5 : i32
    %lt3A_3 = arith.cmpi slt, %arg1, %lt3A : i32
    %convert_element_type3A = arith.extui %lt3A_3 : i1 to i32
    %cond3A = arith.constant 0 : i32
    %cond3A_4 = arith.cmpi ne, %convert_element_type3A, %cond3A : i32
    scf.if %cond3A_4 {
      %mul3A_183 = arith.constant 200 : i32
      %mul3A_184 = arith.muli %arg1, %mul3A_183 : i32
      "tpu.region"() ({
        %run_scoped3A = tpu.sem_alloc : memref<!tpu.dma_semaphore, #tpu.memory_space<semaphore_mem>>
        %dma_start3A_185 = arith.constant 0 : i32
        %dma_start3A_186 = tpu.memref_slice %arg14[%mul3A_184, %dma_start3A_185] : memref<1000x128xf32, #tpu.memory_space<vmem_shared>> -> memref<200x128xf32, #tpu.memory_space<vmem_shared>>
        %dma_start3A_187 = arith.constant 0 : i32
        %dma_start3A_188 = tpu.memref_slice %arg3[%mul3A_184, %dma_start3A_187] : memref<1000x128xf32, #tpu.memory_space<hbm>> -> memref<200x128xf32, #tpu.memory_space<hbm>>
        tpu.enqueue_dma source(%dma_start3A_188 : memref<200x128xf32, #tpu.memory_space<hbm>>) target(%dma_start3A_186 : memref<200x128xf32, #tpu.memory_space<vmem_shared>>) target_semaphore(%run_scoped3A : memref<!tpu.dma_semaphore, #tpu.memory_space<semaphore_mem>>)
        %dma_wait3A_189 = arith.constant 0 : i32
        %dma_wait3A_190 = tpu.memref_slice %arg14[%mul3A_184, %dma_wait3A_189] : memref<1000x128xf32, #tpu.memory_space<vmem_shared>> -> memref<200x128xf32, #tpu.memory_space<vmem_shared>>
        %dma_wait3A_191 = arith.constant 0 : i32
        %dma_wait3A_192 = tpu.memref_slice %arg3[%mul3A_184, %dma_wait3A_191] : memref<1000x128xf32, #tpu.memory_space<hbm>> -> memref<200x128xf32, #tpu.memory_space<hbm>>
        tpu.wait_dma2 semaphore(%run_scoped3A : memref<!tpu.dma_semaphore, #tpu.memory_space<semaphore_mem>>) src(%dma_wait3A_192 : memref<200x128xf32, #tpu.memory_space<hbm>>) dst(%dma_wait3A_190 : memref<200x128xf32, #tpu.memory_space<vmem_shared>>)
        tpu.yield
      }) : () -> ()
    } else {
    }
    %barrier3A = arith.constant 0 : index
    tpu.barrier barrier_id(%barrier3A)
    %add3A_5 = arith.constant 0 : i32
    %add3A_6 = arith.addi %mul3A_2, %add3A_5 : i32
    %dma_start3A = tpu.memref_slice %arg2[%add3A_6] : memref<819200xi32, #tpu.memory_space<hbm>> -> memref<64xi32, #tpu.memory_space<hbm>>
    %dma_start3A_7 = tpu.memref_slice %arg2[%add3A_6] : memref<819200xi32, #tpu.memory_space<hbm>> -> memref<64xi32, #tpu.memory_space<hbm>>
    tpu.enqueue_dma source(%dma_start3A_7 : memref<64xi32, #tpu.memory_space<hbm>>) target(%arg5 : memref<64xi32, #tpu.memory_space<vmem>>) target_semaphore(%arg15 : memref<!tpu.dma_semaphore, #tpu.memory_space<semaphore_mem>>)
    %add3A_8 = arith.constant 64 : i32
    %add3A_9 = arith.addi %mul3A_2, %add3A_8 : i32
    %dma_start3A_10 = tpu.memref_slice %arg2[%add3A_9] : memref<819200xi32, #tpu.memory_space<hbm>> -> memref<64xi32, #tpu.memory_space<hbm>>
    %dma_start3A_11 = tpu.memref_slice %arg2[%add3A_9] : memref<819200xi32, #tpu.memory_space<hbm>> -> memref<64xi32, #tpu.memory_space<hbm>>
    tpu.enqueue_dma source(%dma_start3A_11 : memref<64xi32, #tpu.memory_space<hbm>>) target(%arg6 : memref<64xi32, #tpu.memory_space<vmem>>) target_semaphore(%arg16 : memref<!tpu.dma_semaphore, #tpu.memory_space<semaphore_mem>>)
    %add3A_12 = arith.constant 128 : i32
    %add3A_13 = arith.addi %mul3A_2, %add3A_12 : i32
    %dma_start3A_14 = tpu.memref_slice %arg2[%add3A_13] : memref<819200xi32, #tpu.memory_space<hbm>> -> memref<64xi32, #tpu.memory_space<hbm>>
    %dma_start3A_15 = tpu.memref_slice %arg2[%add3A_13] : memref<819200xi32, #tpu.memory_space<hbm>> -> memref<64xi32, #tpu.memory_space<hbm>>
    tpu.enqueue_dma source(%dma_start3A_15 : memref<64xi32, #tpu.memory_space<hbm>>) target(%arg7 : memref<64xi32, #tpu.memory_space<vmem>>) target_semaphore(%arg17 : memref<!tpu.dma_semaphore, #tpu.memory_space<semaphore_mem>>)
    %add3A_16 = arith.constant 192 : i32
    %add3A_17 = arith.addi %mul3A_2, %add3A_16 : i32
    %dma_start3A_18 = tpu.memref_slice %arg2[%add3A_17] : memref<819200xi32, #tpu.memory_space<hbm>> -> memref<64xi32, #tpu.memory_space<hbm>>
    %dma_start3A_19 = tpu.memref_slice %arg2[%add3A_17] : memref<819200xi32, #tpu.memory_space<hbm>> -> memref<64xi32, #tpu.memory_space<hbm>>
    tpu.enqueue_dma source(%dma_start3A_19 : memref<64xi32, #tpu.memory_space<hbm>>) target(%arg8 : memref<64xi32, #tpu.memory_space<vmem>>) target_semaphore(%arg18 : memref<!tpu.dma_semaphore, #tpu.memory_space<semaphore_mem>>)
    %add3A_20 = arith.constant 256 : i32
    %add3A_21 = arith.addi %mul3A_2, %add3A_20 : i32
    %dma_start3A_22 = tpu.memref_slice %arg2[%add3A_21] : memref<819200xi32, #tpu.memory_space<hbm>> -> memref<64xi32, #tpu.memory_space<hbm>>
    %dma_start3A_23 = tpu.memref_slice %arg2[%add3A_21] : memref<819200xi32, #tpu.memory_space<hbm>> -> memref<64xi32, #tpu.memory_space<hbm>>
    tpu.enqueue_dma source(%dma_start3A_23 : memref<64xi32, #tpu.memory_space<hbm>>) target(%arg9 : memref<64xi32, #tpu.memory_space<vmem>>) target_semaphore(%arg19 : memref<!tpu.dma_semaphore, #tpu.memory_space<semaphore_mem>>)
    %add3A_24 = arith.constant 320 : i32
    %add3A_25 = arith.addi %mul3A_2, %add3A_24 : i32
    %dma_start3A_26 = tpu.memref_slice %arg2[%add3A_25] : memref<819200xi32, #tpu.memory_space<hbm>> -> memref<64xi32, #tpu.memory_space<hbm>>
    %dma_start3A_27 = tpu.memref_slice %arg2[%add3A_25] : memref<819200xi32, #tpu.memory_space<hbm>> -> memref<64xi32, #tpu.memory_space<hbm>>
    tpu.enqueue_dma source(%dma_start3A_27 : memref<64xi32, #tpu.memory_space<hbm>>) target(%arg10 : memref<64xi32, #tpu.memory_space<vmem>>) target_semaphore(%arg20 : memref<!tpu.dma_semaphore, #tpu.memory_space<semaphore_mem>>)
    %add3A_28 = arith.constant 384 : i32
    %add3A_29 = arith.addi %mul3A_2, %add3A_28 : i32
    %dma_start3A_30 = tpu.memref_slice %arg2[%add3A_29] : memref<819200xi32, #tpu.memory_space<hbm>> -> memref<64xi32, #tpu.memory_space<hbm>>
    %dma_start3A_31 = tpu.memref_slice %arg2[%add3A_29] : memref<819200xi32, #tpu.memory_space<hbm>> -> memref<64xi32, #tpu.memory_space<hbm>>
    tpu.enqueue_dma source(%dma_start3A_31 : memref<64xi32, #tpu.memory_space<hbm>>) target(%arg11 : memref<64xi32, #tpu.memory_space<vmem>>) target_semaphore(%arg21 : memref<!tpu.dma_semaphore, #tpu.memory_space<semaphore_mem>>)
    %add3A_32 = arith.constant 448 : i32
    %add3A_33 = arith.addi %mul3A_2, %add3A_32 : i32
    %dma_start3A_34 = tpu.memref_slice %arg2[%add3A_33] : memref<819200xi32, #tpu.memory_space<hbm>> -> memref<64xi32, #tpu.memory_space<hbm>>
    %dma_start3A_35 = tpu.memref_slice %arg2[%add3A_33] : memref<819200xi32, #tpu.memory_space<hbm>> -> memref<64xi32, #tpu.memory_space<hbm>>
    tpu.enqueue_dma source(%dma_start3A_35 : memref<64xi32, #tpu.memory_space<hbm>>) target(%arg12 : memref<64xi32, #tpu.memory_space<vmem>>) target_semaphore(%arg22 : memref<!tpu.dma_semaphore, #tpu.memory_space<semaphore_mem>>)
    %scan3A = arith.constant 0 : i32
    %scan3A_36 = arith.constant 0 : i32
    %scan3A_37 = arith.constant 50 : i32
    %scan3A_38 = arith.addi %scan3A_36, %scan3A_37 : i32
    %scan3A_39 = arith.constant 1 : i32
    scf.for %scan3A_183 = %scan3A_36 to %scan3A_38 step %scan3A_39  : i32 {
      %mul3A_184 = arith.constant 8 : i32
      %mul3A_185 = arith.muli %scan3A_183, %mul3A_184 : i32
      %add3A_186 = arith.constant 0 : i32
      %add3A_187 = arith.addi %mul3A_185, %add3A_186 : i32
      %mul3A_188 = arith.constant 64 : i32
      %mul3A_189 = arith.muli %add3A_187, %mul3A_188 : i32
      %add3A_190 = arith.addi %mul3A_2, %mul3A_189 : i32
      %dma_wait3A_191 = tpu.memref_slice %arg2[%add3A_190] : memref<819200xi32, #tpu.memory_space<hbm>> -> memref<64xi32, #tpu.memory_space<hbm>>
      %dma_wait3A_192 = tpu.memref_slice %arg2[%add3A_190] : memref<819200xi32, #tpu.memory_space<hbm>> -> memref<64xi32, #tpu.memory_space<hbm>>
      tpu.wait_dma2 semaphore(%arg15 : memref<!tpu.dma_semaphore, #tpu.memory_space<semaphore_mem>>) src(%dma_wait3A_192 : memref<64xi32, #tpu.memory_space<hbm>>) dst(%arg5 : memref<64xi32, #tpu.memory_space<vmem>>)
      %gt3A = arith.constant 0 : i32
      %gt3A_193 = arith.cmpi sgt, %scan3A_183, %gt3A : i32
      %convert_element_type3A_194 = arith.extui %gt3A_193 : i1 to i32
      %cond3A_195 = arith.constant 0 : i32
      %cond3A_196 = arith.cmpi ne, %convert_element_type3A_194, %cond3A_195 : i32
      scf.if %cond3A_196 {
        %sub3A_587 = arith.constant 512 : i32
        %sub3A_588 = arith.subi %add3A_190, %sub3A_587 : i32
        %dma_wait3A_589 = arith.constant 0 : i32
        %dma_wait3A_590 = arith.constant 0 : i32
        %dma_wait3A_591 = arith.constant 0 : i32
        %dma_wait3A_592 = tpu.memref_slice %arg13[%dma_wait3A_589, %dma_wait3A_590, %dma_wait3A_591] : memref<8x64x128xf32, #tpu.memory_space<vmem>> -> memref<1x64x128xf32, #tpu.memory_space<vmem>>
        %dma_wait3A_593 = tpu.memref_squeeze %dma_wait3A_592 : memref<1x64x128xf32, #tpu.memory_space<vmem>> -> memref<64x128xf32, #tpu.memory_space<vmem>>
        %dma_wait3A_594 = arith.constant 0 : i32
        %dma_wait3A_595 = tpu.memref_slice %arg4[%sub3A_588, %dma_wait3A_594] : memref<819200x128xf32, #tpu.memory_space<hbm>> -> memref<64x128xf32, #tpu.memory_space<hbm>>
        %dma_wait3A_596 = arith.constant 0 : i32
        %dma_wait3A_597 = tpu.memref_slice %arg4[%sub3A_588, %dma_wait3A_596] : memref<819200x128xf32, #tpu.memory_space<hbm>> -> memref<64x128xf32, #tpu.memory_space<hbm>>
        %dma_wait3A_598 = arith.constant 0 : i32
        %dma_wait3A_599 = arith.constant 0 : i32
        %dma_wait3A_600 = tpu.memref_slice %arg13[%dma_wait3A_589, %dma_wait3A_598, %dma_wait3A_599] : memref<8x64x128xf32, #tpu.memory_space<vmem>> -> memref<1x64x128xf32, #tpu.memory_space<vmem>>
        %dma_wait3A_601 = tpu.memref_squeeze %dma_wait3A_600 : memref<1x64x128xf32, #tpu.memory_space<vmem>> -> memref<64x128xf32, #tpu.memory_space<vmem>>
        tpu.wait_dma2 semaphore(%arg31 : memref<!tpu.dma_semaphore, #tpu.memory_space<semaphore_mem>>) src(%dma_wait3A_601 : memref<64x128xf32, #tpu.memory_space<vmem>>) dst(%dma_wait3A_597 : memref<64x128xf32, #tpu.memory_space<hbm>>)
      } else {
      }
      %dma_start3A_197 = arith.constant 0 : i32
      %dma_start3A_198 = arith.constant 0 : i32
      %dma_start3A_199 = arith.constant 0 : i32
      %dma_start3A_200 = tpu.memref_slice %arg13[%dma_start3A_197, %dma_start3A_198, %dma_start3A_199] : memref<8x64x128xf32, #tpu.memory_space<vmem>> -> memref<1x64x128xf32, #tpu.memory_space<vmem>>
      %dma_start3A_201 = tpu.memref_squeeze %dma_start3A_200 : memref<1x64x128xf32, #tpu.memory_space<vmem>> -> memref<64x128xf32, #tpu.memory_space<vmem>>
      %dma_start3A_202 = arith.constant 0 : i32
      %dma_start3A_203 = arith.constant 0 : i32
      %dma_start3A_204 = tpu.memref_slice %arg14[%dma_start3A_202, %dma_start3A_203] : memref<1000x128xf32, #tpu.memory_space<vmem_shared>> -> memref<1000x128xf32, #tpu.memory_space<vmem_shared>>
      tpu.enqueue_indirect_dma source(%dma_start3A_204 : memref<1000x128xf32, #tpu.memory_space<vmem_shared>>) target(%dma_start3A_201 : memref<64x128xf32, #tpu.memory_space<vmem>>) offsets(%arg5 : memref<64xi32, #tpu.memory_space<vmem>>) semaphore(%arg23 : memref<!tpu.dma_semaphore, #tpu.memory_space<semaphore_mem>>)
      %gt3A_205 = arith.constant 0 : i32
      %gt3A_206 = arith.cmpi sgt, %scan3A_183, %gt3A_205 : i32
      %convert_element_type3A_207 = arith.extui %gt3A_206 : i1 to i32
      %cond3A_208 = arith.constant 0 : i32
      %cond3A_209 = arith.cmpi ne, %convert_element_type3A_207, %cond3A_208 : i32
      scf.if %cond3A_209 {
        %dma_wait3A_587 = arith.constant 7 : i32
        %dma_wait3A_588 = arith.constant 0 : i32
        %dma_wait3A_589 = arith.constant 0 : i32
        %dma_wait3A_590 = tpu.memref_slice %arg13[%dma_wait3A_587, %dma_wait3A_588, %dma_wait3A_589] : memref<8x64x128xf32, #tpu.memory_space<vmem>> -> memref<1x64x128xf32, #tpu.memory_space<vmem>>
        %dma_wait3A_591 = tpu.memref_squeeze %dma_wait3A_590 : memref<1x64x128xf32, #tpu.memory_space<vmem>> -> memref<64x128xf32, #tpu.memory_space<vmem>>
        %dma_wait3A_592 = arith.constant 0 : i32
        %dma_wait3A_593 = arith.constant 0 : i32
        %dma_wait3A_594 = tpu.memref_slice %arg14[%dma_wait3A_592, %dma_wait3A_593] : memref<1000x128xf32, #tpu.memory_space<vmem_shared>> -> memref<1000x128xf32, #tpu.memory_space<vmem_shared>>
        tpu.wait_indirect_dma semaphore(%arg30 : memref<!tpu.dma_semaphore, #tpu.memory_space<semaphore_mem>>) src(%dma_wait3A_594 : memref<1000x128xf32, #tpu.memory_space<vmem_shared>>) dst(%dma_wait3A_591 : memref<64x128xf32, #tpu.memory_space<vmem>>)
        %sub3A_595 = arith.constant 64 : i32
        %sub3A_596 = arith.subi %add3A_190, %sub3A_595 : i32
        %dma_start3A_597 = arith.constant 7 : i32
        %dma_start3A_598 = arith.constant 0 : i32
        %dma_start3A_599 = arith.constant 0 : i32
        %dma_start3A_600 = tpu.memref_slice %arg13[%dma_start3A_597, %dma_start3A_598, %dma_start3A_599] : memref<8x64x128xf32, #tpu.memory_space<vmem>> -> memref<1x64x128xf32, #tpu.memory_space<vmem>>
        %dma_start3A_601 = tpu.memref_squeeze %dma_start3A_600 : memref<1x64x128xf32, #tpu.memory_space<vmem>> -> memref<64x128xf32, #tpu.memory_space<vmem>>
        %dma_start3A_602 = arith.constant 0 : i32
        %dma_start3A_603 = tpu.memref_slice %arg4[%sub3A_596, %dma_start3A_602] : memref<819200x128xf32, #tpu.memory_space<hbm>> -> memref<64x128xf32, #tpu.memory_space<hbm>>
        %dma_start3A_604 = arith.constant 0 : i32
        %dma_start3A_605 = tpu.memref_slice %arg4[%sub3A_596, %dma_start3A_604] : memref<819200x128xf32, #tpu.memory_space<hbm>> -> memref<64x128xf32, #tpu.memory_space<hbm>>
        %dma_start3A_606 = arith.constant 0 : i32
        %dma_start3A_607 = arith.constant 0 : i32
        %dma_start3A_608 = tpu.memref_slice %arg13[%dma_start3A_597, %dma_start3A_606, %dma_start3A_607] : memref<8x64x128xf32, #tpu.memory_space<vmem>> -> memref<1x64x128xf32, #tpu.memory_space<vmem>>
        %dma_start3A_609 = tpu.memref_squeeze %dma_start3A_608 : memref<1x64x128xf32, #tpu.memory_space<vmem>> -> memref<64x128xf32, #tpu.memory_space<vmem>>
        tpu.enqueue_dma source(%dma_start3A_609 : memref<64x128xf32, #tpu.memory_space<vmem>>) target(%dma_start3A_605 : memref<64x128xf32, #tpu.memory_space<hbm>>) target_semaphore(%arg38 : memref<!tpu.dma_semaphore, #tpu.memory_space<semaphore_mem>>)
        %add3A_610 = arith.constant 8 : i32
        %add3A_611 = arith.addi %add3A_187, %add3A_610 : i32
        %sub3A_612 = arith.constant 1 : i32
        %sub3A_613 = arith.subi %add3A_611, %sub3A_612 : i32
        %lt3A_614 = arith.constant 400 : i32
        %lt3A_615 = arith.cmpi slt, %sub3A_613, %lt3A_614 : i32
        %convert_element_type3A_616 = arith.extui %lt3A_615 : i1 to i32
        %cond3A_617 = arith.constant 0 : i32
        %cond3A_618 = arith.cmpi ne, %convert_element_type3A_616, %cond3A_617 : i32
        scf.if %cond3A_618 {
          %add3A_619 = arith.constant 448 : i32
          %add3A_620 = arith.addi %add3A_190, %add3A_619 : i32
          %dma_start3A_621 = tpu.memref_slice %arg2[%add3A_620] : memref<819200xi32, #tpu.memory_space<hbm>> -> memref<64xi32, #tpu.memory_space<hbm>>
          %dma_start3A_622 = tpu.memref_slice %arg2[%add3A_620] : memref<819200xi32, #tpu.memory_space<hbm>> -> memref<64xi32, #tpu.memory_space<hbm>>
          tpu.enqueue_dma source(%dma_start3A_622 : memref<64xi32, #tpu.memory_space<hbm>>) target(%arg12 : memref<64xi32, #tpu.memory_space<vmem>>) target_semaphore(%arg22 : memref<!tpu.dma_semaphore, #tpu.memory_space<semaphore_mem>>)
        } else {
        }
      } else {
      }
      %mul3A_210 = arith.constant 8 : i32
      %mul3A_211 = arith.muli %scan3A_183, %mul3A_210 : i32
      %add3A_212 = arith.constant 1 : i32
      %add3A_213 = arith.addi %mul3A_211, %add3A_212 : i32
      %mul3A_214 = arith.constant 64 : i32
      %mul3A_215 = arith.muli %add3A_213, %mul3A_214 : i32
      %add3A_216 = arith.addi %mul3A_2, %mul3A_215 : i32
      %dma_wait3A_217 = tpu.memref_slice %arg2[%add3A_216] : memref<819200xi32, #tpu.memory_space<hbm>> -> memref<64xi32, #tpu.memory_space<hbm>>
      %dma_wait3A_218 = tpu.memref_slice %arg2[%add3A_216] : memref<819200xi32, #tpu.memory_space<hbm>> -> memref<64xi32, #tpu.memory_space<hbm>>
      tpu.wait_dma2 semaphore(%arg16 : memref<!tpu.dma_semaphore, #tpu.memory_space<semaphore_mem>>) src(%dma_wait3A_218 : memref<64xi32, #tpu.memory_space<hbm>>) dst(%arg6 : memref<64xi32, #tpu.memory_space<vmem>>)
      %gt3A_219 = arith.constant 0 : i32
      %gt3A_220 = arith.cmpi sgt, %scan3A_183, %gt3A_219 : i32
      %convert_element_type3A_221 = arith.extui %gt3A_220 : i1 to i32
      %cond3A_222 = arith.constant 0 : i32
      %cond3A_223 = arith.cmpi ne, %convert_element_type3A_221, %cond3A_222 : i32
      scf.if %cond3A_223 {
        %sub3A_587 = arith.constant 512 : i32
        %sub3A_588 = arith.subi %add3A_216, %sub3A_587 : i32
        %dma_wait3A_589 = arith.constant 1 : i32
        %dma_wait3A_590 = arith.constant 0 : i32
        %dma_wait3A_591 = arith.constant 0 : i32
        %dma_wait3A_592 = tpu.memref_slice %arg13[%dma_wait3A_589, %dma_wait3A_590, %dma_wait3A_591] : memref<8x64x128xf32, #tpu.memory_space<vmem>> -> memref<1x64x128xf32, #tpu.memory_space<vmem>>
        %dma_wait3A_593 = tpu.memref_squeeze %dma_wait3A_592 : memref<1x64x128xf32, #tpu.memory_space<vmem>> -> memref<64x128xf32, #tpu.memory_space<vmem>>
        %dma_wait3A_594 = arith.constant 0 : i32
        %dma_wait3A_595 = tpu.memref_slice %arg4[%sub3A_588, %dma_wait3A_594] : memref<819200x128xf32, #tpu.memory_space<hbm>> -> memref<64x128xf32, #tpu.memory_space<hbm>>
        %dma_wait3A_596 = arith.constant 0 : i32
        %dma_wait3A_597 = tpu.memref_slice %arg4[%sub3A_588, %dma_wait3A_596] : memref<819200x128xf32, #tpu.memory_space<hbm>> -> memref<64x128xf32, #tpu.memory_space<hbm>>
        %dma_wait3A_598 = arith.constant 0 : i32
        %dma_wait3A_599 = arith.constant 0 : i32
        %dma_wait3A_600 = tpu.memref_slice %arg13[%dma_wait3A_589, %dma_wait3A_598, %dma_wait3A_599] : memref<8x64x128xf32, #tpu.memory_space<vmem>> -> memref<1x64x128xf32, #tpu.memory_space<vmem>>
        %dma_wait3A_601 = tpu.memref_squeeze %dma_wait3A_600 : memref<1x64x128xf32, #tpu.memory_space<vmem>> -> memref<64x128xf32, #tpu.memory_space<vmem>>
        tpu.wait_dma2 semaphore(%arg32 : memref<!tpu.dma_semaphore, #tpu.memory_space<semaphore_mem>>) src(%dma_wait3A_601 : memref<64x128xf32, #tpu.memory_space<vmem>>) dst(%dma_wait3A_597 : memref<64x128xf32, #tpu.memory_space<hbm>>)
      } else {
      }
      %dma_start3A_224 = arith.constant 1 : i32
      %dma_start3A_225 = arith.constant 0 : i32
      %dma_start3A_226 = arith.constant 0 : i32
      %dma_start3A_227 = tpu.memref_slice %arg13[%dma_start3A_224, %dma_start3A_225, %dma_start3A_226] : memref<8x64x128xf32, #tpu.memory_space<vmem>> -> memref<1x64x128xf32, #tpu.memory_space<vmem>>
      %dma_start3A_228 = tpu.memref_squeeze %dma_start3A_227 : memref<1x64x128xf32, #tpu.memory_space<vmem>> -> memref<64x128xf32, #tpu.memory_space<vmem>>
      %dma_start3A_229 = arith.constant 0 : i32
      %dma_start3A_230 = arith.constant 0 : i32
      %dma_start3A_231 = tpu.memref_slice %arg14[%dma_start3A_229, %dma_start3A_230] : memref<1000x128xf32, #tpu.memory_space<vmem_shared>> -> memref<1000x128xf32, #tpu.memory_space<vmem_shared>>
      tpu.enqueue_indirect_dma source(%dma_start3A_231 : memref<1000x128xf32, #tpu.memory_space<vmem_shared>>) target(%dma_start3A_228 : memref<64x128xf32, #tpu.memory_space<vmem>>) offsets(%arg6 : memref<64xi32, #tpu.memory_space<vmem>>) semaphore(%arg24 : memref<!tpu.dma_semaphore, #tpu.memory_space<semaphore_mem>>)
      %dma_wait3A_232 = arith.constant 0 : i32
      %dma_wait3A_233 = arith.constant 0 : i32
      %dma_wait3A_234 = arith.constant 0 : i32
      %dma_wait3A_235 = tpu.memref_slice %arg13[%dma_wait3A_232, %dma_wait3A_233, %dma_wait3A_234] : memref<8x64x128xf32, #tpu.memory_space<vmem>> -> memref<1x64x128xf32, #tpu.memory_space<vmem>>
      %dma_wait3A_236 = tpu.memref_squeeze %dma_wait3A_235 : memref<1x64x128xf32, #tpu.memory_space<vmem>> -> memref<64x128xf32, #tpu.memory_space<vmem>>
      %dma_wait3A_237 = arith.constant 0 : i32
      %dma_wait3A_238 = arith.constant 0 : i32
      %dma_wait3A_239 = tpu.memref_slice %arg14[%dma_wait3A_237, %dma_wait3A_238] : memref<1000x128xf32, #tpu.memory_space<vmem_shared>> -> memref<1000x128xf32, #tpu.memory_space<vmem_shared>>
      tpu.wait_indirect_dma semaphore(%arg23 : memref<!tpu.dma_semaphore, #tpu.memory_space<semaphore_mem>>) src(%dma_wait3A_239 : memref<1000x128xf32, #tpu.memory_space<vmem_shared>>) dst(%dma_wait3A_236 : memref<64x128xf32, #tpu.memory_space<vmem>>)
      %sub3A = arith.constant 64 : i32
      %sub3A_240 = arith.subi %add3A_216, %sub3A : i32
      %dma_start3A_241 = arith.constant 0 : i32
      %dma_start3A_242 = arith.constant 0 : i32
      %dma_start3A_243 = arith.constant 0 : i32
      %dma_start3A_244 = tpu.memref_slice %arg13[%dma_start3A_241, %dma_start3A_242, %dma_start3A_243] : memref<8x64x128xf32, #tpu.memory_space<vmem>> -> memref<1x64x128xf32, #tpu.memory_space<vmem>>
      %dma_start3A_245 = tpu.memref_squeeze %dma_start3A_244 : memref<1x64x128xf32, #tpu.memory_space<vmem>> -> memref<64x128xf32, #tpu.memory_space<vmem>>
      %dma_start3A_246 = arith.constant 0 : i32
      %dma_start3A_247 = tpu.memref_slice %arg4[%sub3A_240, %dma_start3A_246] : memref<819200x128xf32, #tpu.memory_space<hbm>> -> memref<64x128xf32, #tpu.memory_space<hbm>>
      %dma_start3A_248 = arith.constant 0 : i32
      %dma_start3A_249 = tpu.memref_slice %arg4[%sub3A_240, %dma_start3A_248] : memref<819200x128xf32, #tpu.memory_space<hbm>> -> memref<64x128xf32, #tpu.memory_space<hbm>>
      %dma_start3A_250 = arith.constant 0 : i32
      %dma_start3A_251 = arith.constant 0 : i32
      %dma_start3A_252 = tpu.memref_slice %arg13[%dma_start3A_241, %dma_start3A_250, %dma_start3A_251] : memref<8x64x128xf32, #tpu.memory_space<vmem>> -> memref<1x64x128xf32, #tpu.memory_space<vmem>>
      %dma_start3A_253 = tpu.memref_squeeze %dma_start3A_252 : memref<1x64x128xf32, #tpu.memory_space<vmem>> -> memref<64x128xf32, #tpu.memory_space<vmem>>
      tpu.enqueue_dma source(%dma_start3A_253 : memref<64x128xf32, #tpu.memory_space<vmem>>) target(%dma_start3A_249 : memref<64x128xf32, #tpu.memory_space<hbm>>) target_semaphore(%arg31 : memref<!tpu.dma_semaphore, #tpu.memory_space<semaphore_mem>>)
      %add3A_254 = arith.constant 8 : i32
      %add3A_255 = arith.addi %add3A_213, %add3A_254 : i32
      %sub3A_256 = arith.constant 1 : i32
      %sub3A_257 = arith.subi %add3A_255, %sub3A_256 : i32
      %lt3A_258 = arith.constant 400 : i32
      %lt3A_259 = arith.cmpi slt, %sub3A_257, %lt3A_258 : i32
      %convert_element_type3A_260 = arith.extui %lt3A_259 : i1 to i32
      %cond3A_261 = arith.constant 0 : i32
      %cond3A_262 = arith.cmpi ne, %convert_element_type3A_260, %cond3A_261 : i32
      scf.if %cond3A_262 {
        %add3A_587 = arith.constant 448 : i32
        %add3A_588 = arith.addi %add3A_216, %add3A_587 : i32
        %dma_start3A_589 = tpu.memref_slice %arg2[%add3A_588] : memref<819200xi32, #tpu.memory_space<hbm>> -> memref<64xi32, #tpu.memory_space<hbm>>
        %dma_start3A_590 = tpu.memref_slice %arg2[%add3A_588] : memref<819200xi32, #tpu.memory_space<hbm>> -> memref<64xi32, #tpu.memory_space<hbm>>
        tpu.enqueue_dma source(%dma_start3A_590 : memref<64xi32, #tpu.memory_space<hbm>>) target(%arg5 : memref<64xi32, #tpu.memory_space<vmem>>) target_semaphore(%arg15 : memref<!tpu.dma_semaphore, #tpu.memory_space<semaphore_mem>>)
      } else {
      }
      %mul3A_263 = arith.constant 8 : i32
      %mul3A_264 = arith.muli %scan3A_183, %mul3A_263 : i32
      %add3A_265 = arith.constant 2 : i32
      %add3A_266 = arith.addi %mul3A_264, %add3A_265 : i32
      %mul3A_267 = arith.constant 64 : i32
      %mul3A_268 = arith.muli %add3A_266, %mul3A_267 : i32
      %add3A_269 = arith.addi %mul3A_2, %mul3A_268 : i32
      %dma_wait3A_270 = tpu.memref_slice %arg2[%add3A_269] : memref<819200xi32, #tpu.memory_space<hbm>> -> memref<64xi32, #tpu.memory_space<hbm>>
      %dma_wait3A_271 = tpu.memref_slice %arg2[%add3A_269] : memref<819200xi32, #tpu.memory_space<hbm>> -> memref<64xi32, #tpu.memory_space<hbm>>
      tpu.wait_dma2 semaphore(%arg17 : memref<!tpu.dma_semaphore, #tpu.memory_space<semaphore_mem>>) src(%dma_wait3A_271 : memref<64xi32, #tpu.memory_space<hbm>>) dst(%arg7 : memref<64xi32, #tpu.memory_space<vmem>>)
      %gt3A_272 = arith.constant 0 : i32
      %gt3A_273 = arith.cmpi sgt, %scan3A_183, %gt3A_272 : i32
      %convert_element_type3A_274 = arith.extui %gt3A_273 : i1 to i32
      %cond3A_275 = arith.constant 0 : i32
      %cond3A_276 = arith.cmpi ne, %convert_element_type3A_274, %cond3A_275 : i32
      scf.if %cond3A_276 {
        %sub3A_587 = arith.constant 512 : i32
        %sub3A_588 = arith.subi %add3A_269, %sub3A_587 : i32
        %dma_wait3A_589 = arith.constant 2 : i32
        %dma_wait3A_590 = arith.constant 0 : i32
        %dma_wait3A_591 = arith.constant 0 : i32
        %dma_wait3A_592 = tpu.memref_slice %arg13[%dma_wait3A_589, %dma_wait3A_590, %dma_wait3A_591] : memref<8x64x128xf32, #tpu.memory_space<vmem>> -> memref<1x64x128xf32, #tpu.memory_space<vmem>>
        %dma_wait3A_593 = tpu.memref_squeeze %dma_wait3A_592 : memref<1x64x128xf32, #tpu.memory_space<vmem>> -> memref<64x128xf32, #tpu.memory_space<vmem>>
        %dma_wait3A_594 = arith.constant 0 : i32
        %dma_wait3A_595 = tpu.memref_slice %arg4[%sub3A_588, %dma_wait3A_594] : memref<819200x128xf32, #tpu.memory_space<hbm>> -> memref<64x128xf32, #tpu.memory_space<hbm>>
        %dma_wait3A_596 = arith.constant 0 : i32
        %dma_wait3A_597 = tpu.memref_slice %arg4[%sub3A_588, %dma_wait3A_596] : memref<819200x128xf32, #tpu.memory_space<hbm>> -> memref<64x128xf32, #tpu.memory_space<hbm>>
        %dma_wait3A_598 = arith.constant 0 : i32
        %dma_wait3A_599 = arith.constant 0 : i32
        %dma_wait3A_600 = tpu.memref_slice %arg13[%dma_wait3A_589, %dma_wait3A_598, %dma_wait3A_599] : memref<8x64x128xf32, #tpu.memory_space<vmem>> -> memref<1x64x128xf32, #tpu.memory_space<vmem>>
        %dma_wait3A_601 = tpu.memref_squeeze %dma_wait3A_600 : memref<1x64x128xf32, #tpu.memory_space<vmem>> -> memref<64x128xf32, #tpu.memory_space<vmem>>
        tpu.wait_dma2 semaphore(%arg33 : memref<!tpu.dma_semaphore, #tpu.memory_space<semaphore_mem>>) src(%dma_wait3A_601 : memref<64x128xf32, #tpu.memory_space<vmem>>) dst(%dma_wait3A_597 : memref<64x128xf32, #tpu.memory_space<hbm>>)
      } else {
      }
      %dma_start3A_277 = arith.constant 2 : i32
      %dma_start3A_278 = arith.constant 0 : i32
      %dma_start3A_279 = arith.constant 0 : i32
      %dma_start3A_280 = tpu.memref_slice %arg13[%dma_start3A_277, %dma_start3A_278, %dma_start3A_279] : memref<8x64x128xf32, #tpu.memory_space<vmem>> -> memref<1x64x128xf32, #tpu.memory_space<vmem>>
      %dma_start3A_281 = tpu.memref_squeeze %dma_start3A_280 : memref<1x64x128xf32, #tpu.memory_space<vmem>> -> memref<64x128xf32, #tpu.memory_space<vmem>>
      %dma_start3A_282 = arith.constant 0 : i32
      %dma_start3A_283 = arith.constant 0 : i32
      %dma_start3A_284 = tpu.memref_slice %arg14[%dma_start3A_282, %dma_start3A_283] : memref<1000x128xf32, #tpu.memory_space<vmem_shared>> -> memref<1000x128xf32, #tpu.memory_space<vmem_shared>>
      tpu.enqueue_indirect_dma source(%dma_start3A_284 : memref<1000x128xf32, #tpu.memory_space<vmem_shared>>) target(%dma_start3A_281 : memref<64x128xf32, #tpu.memory_space<vmem>>) offsets(%arg7 : memref<64xi32, #tpu.memory_space<vmem>>) semaphore(%arg25 : memref<!tpu.dma_semaphore, #tpu.memory_space<semaphore_mem>>)
      %dma_wait3A_285 = arith.constant 1 : i32
      %dma_wait3A_286 = arith.constant 0 : i32
      %dma_wait3A_287 = arith.constant 0 : i32
      %dma_wait3A_288 = tpu.memref_slice %arg13[%dma_wait3A_285, %dma_wait3A_286, %dma_wait3A_287] : memref<8x64x128xf32, #tpu.memory_space<vmem>> -> memref<1x64x128xf32, #tpu.memory_space<vmem>>
      %dma_wait3A_289 = tpu.memref_squeeze %dma_wait3A_288 : memref<1x64x128xf32, #tpu.memory_space<vmem>> -> memref<64x128xf32, #tpu.memory_space<vmem>>
      %dma_wait3A_290 = arith.constant 0 : i32
      %dma_wait3A_291 = arith.constant 0 : i32
      %dma_wait3A_292 = tpu.memref_slice %arg14[%dma_wait3A_290, %dma_wait3A_291] : memref<1000x128xf32, #tpu.memory_space<vmem_shared>> -> memref<1000x128xf32, #tpu.memory_space<vmem_shared>>
      tpu.wait_indirect_dma semaphore(%arg24 : memref<!tpu.dma_semaphore, #tpu.memory_space<semaphore_mem>>) src(%dma_wait3A_292 : memref<1000x128xf32, #tpu.memory_space<vmem_shared>>) dst(%dma_wait3A_289 : memref<64x128xf32, #tpu.memory_space<vmem>>)
      %sub3A_293 = arith.constant 64 : i32
      %sub3A_294 = arith.subi %add3A_269, %sub3A_293 : i32
      %dma_start3A_295 = arith.constant 1 : i32
      %dma_start3A_296 = arith.constant 0 : i32
      %dma_start3A_297 = arith.constant 0 : i32
      %dma_start3A_298 = tpu.memref_slice %arg13[%dma_start3A_295, %dma_start3A_296, %dma_start3A_297] : memref<8x64x128xf32, #tpu.memory_space<vmem>> -> memref<1x64x128xf32, #tpu.memory_space<vmem>>
      %dma_start3A_299 = tpu.memref_squeeze %dma_start3A_298 : memref<1x64x128xf32, #tpu.memory_space<vmem>> -> memref<64x128xf32, #tpu.memory_space<vmem>>
      %dma_start3A_300 = arith.constant 0 : i32
      %dma_start3A_301 = tpu.memref_slice %arg4[%sub3A_294, %dma_start3A_300] : memref<819200x128xf32, #tpu.memory_space<hbm>> -> memref<64x128xf32, #tpu.memory_space<hbm>>
      %dma_start3A_302 = arith.constant 0 : i32
      %dma_start3A_303 = tpu.memref_slice %arg4[%sub3A_294, %dma_start3A_302] : memref<819200x128xf32, #tpu.memory_space<hbm>> -> memref<64x128xf32, #tpu.memory_space<hbm>>
      %dma_start3A_304 = arith.constant 0 : i32
      %dma_start3A_305 = arith.constant 0 : i32
      %dma_start3A_306 = tpu.memref_slice %arg13[%dma_start3A_295, %dma_start3A_304, %dma_start3A_305] : memref<8x64x128xf32, #tpu.memory_space<vmem>> -> memref<1x64x128xf32, #tpu.memory_space<vmem>>
      %dma_start3A_307 = tpu.memref_squeeze %dma_start3A_306 : memref<1x64x128xf32, #tpu.memory_space<vmem>> -> memref<64x128xf32, #tpu.memory_space<vmem>>
      tpu.enqueue_dma source(%dma_start3A_307 : memref<64x128xf32, #tpu.memory_space<vmem>>) target(%dma_start3A_303 : memref<64x128xf32, #tpu.memory_space<hbm>>) target_semaphore(%arg32 : memref<!tpu.dma_semaphore, #tpu.memory_space<semaphore_mem>>)
      %add3A_308 = arith.constant 8 : i32
      %add3A_309 = arith.addi %add3A_266, %add3A_308 : i32
      %sub3A_310 = arith.constant 1 : i32
      %sub3A_311 = arith.subi %add3A_309, %sub3A_310 : i32
      %lt3A_312 = arith.constant 400 : i32
      %lt3A_313 = arith.cmpi slt, %sub3A_311, %lt3A_312 : i32
      %convert_element_type3A_314 = arith.extui %lt3A_313 : i1 to i32
      %cond3A_315 = arith.constant 0 : i32
      %cond3A_316 = arith.cmpi ne, %convert_element_type3A_314, %cond3A_315 : i32
      scf.if %cond3A_316 {
        %add3A_587 = arith.constant 448 : i32
        %add3A_588 = arith.addi %add3A_269, %add3A_587 : i32
        %dma_start3A_589 = tpu.memref_slice %arg2[%add3A_588] : memref<819200xi32, #tpu.memory_space<hbm>> -> memref<64xi32, #tpu.memory_space<hbm>>
        %dma_start3A_590 = tpu.memref_slice %arg2[%add3A_588] : memref<819200xi32, #tpu.memory_space<hbm>> -> memref<64xi32, #tpu.memory_space<hbm>>
        tpu.enqueue_dma source(%dma_start3A_590 : memref<64xi32, #tpu.memory_space<hbm>>) target(%arg6 : memref<64xi32, #tpu.memory_space<vmem>>) target_semaphore(%arg16 : memref<!tpu.dma_semaphore, #tpu.memory_space<semaphore_mem>>)
      } else {
      }
      %mul3A_317 = arith.constant 8 : i32
      %mul3A_318 = arith.muli %scan3A_183, %mul3A_317 : i32
      %add3A_319 = arith.constant 3 : i32
      %add3A_320 = arith.addi %mul3A_318, %add3A_319 : i32
      %mul3A_321 = arith.constant 64 : i32
      %mul3A_322 = arith.muli %add3A_320, %mul3A_321 : i32
      %add3A_323 = arith.addi %mul3A_2, %mul3A_322 : i32
      %dma_wait3A_324 = tpu.memref_slice %arg2[%add3A_323] : memref<819200xi32, #tpu.memory_space<hbm>> -> memref<64xi32, #tpu.memory_space<hbm>>
      %dma_wait3A_325 = tpu.memref_slice %arg2[%add3A_323] : memref<819200xi32, #tpu.memory_space<hbm>> -> memref<64xi32, #tpu.memory_space<hbm>>
      tpu.wait_dma2 semaphore(%arg18 : memref<!tpu.dma_semaphore, #tpu.memory_space<semaphore_mem>>) src(%dma_wait3A_325 : memref<64xi32, #tpu.memory_space<hbm>>) dst(%arg8 : memref<64xi32, #tpu.memory_space<vmem>>)
      %gt3A_326 = arith.constant 0 : i32
      %gt3A_327 = arith.cmpi sgt, %scan3A_183, %gt3A_326 : i32
      %convert_element_type3A_328 = arith.extui %gt3A_327 : i1 to i32
      %cond3A_329 = arith.constant 0 : i32
      %cond3A_330 = arith.cmpi ne, %convert_element_type3A_328, %cond3A_329 : i32
      scf.if %cond3A_330 {
        %sub3A_587 = arith.constant 512 : i32
        %sub3A_588 = arith.subi %add3A_323, %sub3A_587 : i32
        %dma_wait3A_589 = arith.constant 3 : i32
        %dma_wait3A_590 = arith.constant 0 : i32
        %dma_wait3A_591 = arith.constant 0 : i32
        %dma_wait3A_592 = tpu.memref_slice %arg13[%dma_wait3A_589, %dma_wait3A_590, %dma_wait3A_591] : memref<8x64x128xf32, #tpu.memory_space<vmem>> -> memref<1x64x128xf32, #tpu.memory_space<vmem>>
        %dma_wait3A_593 = tpu.memref_squeeze %dma_wait3A_592 : memref<1x64x128xf32, #tpu.memory_space<vmem>> -> memref<64x128xf32, #tpu.memory_space<vmem>>
        %dma_wait3A_594 = arith.constant 0 : i32
        %dma_wait3A_595 = tpu.memref_slice %arg4[%sub3A_588, %dma_wait3A_594] : memref<819200x128xf32, #tpu.memory_space<hbm>> -> memref<64x128xf32, #tpu.memory_space<hbm>>
        %dma_wait3A_596 = arith.constant 0 : i32
        %dma_wait3A_597 = tpu.memref_slice %arg4[%sub3A_588, %dma_wait3A_596] : memref<819200x128xf32, #tpu.memory_space<hbm>> -> memref<64x128xf32, #tpu.memory_space<hbm>>
        %dma_wait3A_598 = arith.constant 0 : i32
        %dma_wait3A_599 = arith.constant 0 : i32
        %dma_wait3A_600 = tpu.memref_slice %arg13[%dma_wait3A_589, %dma_wait3A_598, %dma_wait3A_599] : memref<8x64x128xf32, #tpu.memory_space<vmem>> -> memref<1x64x128xf32, #tpu.memory_space<vmem>>
        %dma_wait3A_601 = tpu.memref_squeeze %dma_wait3A_600 : memref<1x64x128xf32, #tpu.memory_space<vmem>> -> memref<64x128xf32, #tpu.memory_space<vmem>>
        tpu.wait_dma2 semaphore(%arg34 : memref<!tpu.dma_semaphore, #tpu.memory_space<semaphore_mem>>) src(%dma_wait3A_601 : memref<64x128xf32, #tpu.memory_space<vmem>>) dst(%dma_wait3A_597 : memref<64x128xf32, #tpu.memory_space<hbm>>)
      } else {
      }
      %dma_start3A_331 = arith.constant 3 : i32
      %dma_start3A_332 = arith.constant 0 : i32
      %dma_start3A_333 = arith.constant 0 : i32
      %dma_start3A_334 = tpu.memref_slice %arg13[%dma_start3A_331, %dma_start3A_332, %dma_start3A_333] : memref<8x64x128xf32, #tpu.memory_space<vmem>> -> memref<1x64x128xf32, #tpu.memory_space<vmem>>
      %dma_start3A_335 = tpu.memref_squeeze %dma_start3A_334 : memref<1x64x128xf32, #tpu.memory_space<vmem>> -> memref<64x128xf32, #tpu.memory_space<vmem>>
      %dma_start3A_336 = arith.constant 0 : i32
      %dma_start3A_337 = arith.constant 0 : i32
      %dma_start3A_338 = tpu.memref_slice %arg14[%dma_start3A_336, %dma_start3A_337] : memref<1000x128xf32, #tpu.memory_space<vmem_shared>> -> memref<1000x128xf32, #tpu.memory_space<vmem_shared>>
      tpu.enqueue_indirect_dma source(%dma_start3A_338 : memref<1000x128xf32, #tpu.memory_space<vmem_shared>>) target(%dma_start3A_335 : memref<64x128xf32, #tpu.memory_space<vmem>>) offsets(%arg8 : memref<64xi32, #tpu.memory_space<vmem>>) semaphore(%arg26 : memref<!tpu.dma_semaphore, #tpu.memory_space<semaphore_mem>>)
      %dma_wait3A_339 = arith.constant 2 : i32
      %dma_wait3A_340 = arith.constant 0 : i32
      %dma_wait3A_341 = arith.constant 0 : i32
      %dma_wait3A_342 = tpu.memref_slice %arg13[%dma_wait3A_339, %dma_wait3A_340, %dma_wait3A_341] : memref<8x64x128xf32, #tpu.memory_space<vmem>> -> memref<1x64x128xf32, #tpu.memory_space<vmem>>
      %dma_wait3A_343 = tpu.memref_squeeze %dma_wait3A_342 : memref<1x64x128xf32, #tpu.memory_space<vmem>> -> memref<64x128xf32, #tpu.memory_space<vmem>>
      %dma_wait3A_344 = arith.constant 0 : i32
      %dma_wait3A_345 = arith.constant 0 : i32
      %dma_wait3A_346 = tpu.memref_slice %arg14[%dma_wait3A_344, %dma_wait3A_345] : memref<1000x128xf32, #tpu.memory_space<vmem_shared>> -> memref<1000x128xf32, #tpu.memory_space<vmem_shared>>
      tpu.wait_indirect_dma semaphore(%arg25 : memref<!tpu.dma_semaphore, #tpu.memory_space<semaphore_mem>>) src(%dma_wait3A_346 : memref<1000x128xf32, #tpu.memory_space<vmem_shared>>) dst(%dma_wait3A_343 : memref<64x128xf32, #tpu.memory_space<vmem>>)
      %sub3A_347 = arith.constant 64 : i32
      %sub3A_348 = arith.subi %add3A_323, %sub3A_347 : i32
      %dma_start3A_349 = arith.constant 2 : i32
      %dma_start3A_350 = arith.constant 0 : i32
      %dma_start3A_351 = arith.constant 0 : i32
      %dma_start3A_352 = tpu.memref_slice %arg13[%dma_start3A_349, %dma_start3A_350, %dma_start3A_351] : memref<8x64x128xf32, #tpu.memory_space<vmem>> -> memref<1x64x128xf32, #tpu.memory_space<vmem>>
      %dma_start3A_353 = tpu.memref_squeeze %dma_start3A_352 : memref<1x64x128xf32, #tpu.memory_space<vmem>> -> memref<64x128xf32, #tpu.memory_space<vmem>>
      %dma_start3A_354 = arith.constant 0 : i32
      %dma_start3A_355 = tpu.memref_slice %arg4[%sub3A_348, %dma_start3A_354] : memref<819200x128xf32, #tpu.memory_space<hbm>> -> memref<64x128xf32, #tpu.memory_space<hbm>>
      %dma_start3A_356 = arith.constant 0 : i32
      %dma_start3A_357 = tpu.memref_slice %arg4[%sub3A_348, %dma_start3A_356] : memref<819200x128xf32, #tpu.memory_space<hbm>> -> memref<64x128xf32, #tpu.memory_space<hbm>>
      %dma_start3A_358 = arith.constant 0 : i32
      %dma_start3A_359 = arith.constant 0 : i32
      %dma_start3A_360 = tpu.memref_slice %arg13[%dma_start3A_349, %dma_start3A_358, %dma_start3A_359] : memref<8x64x128xf32, #tpu.memory_space<vmem>> -> memref<1x64x128xf32, #tpu.memory_space<vmem>>
      %dma_start3A_361 = tpu.memref_squeeze %dma_start3A_360 : memref<1x64x128xf32, #tpu.memory_space<vmem>> -> memref<64x128xf32, #tpu.memory_space<vmem>>
      tpu.enqueue_dma source(%dma_start3A_361 : memref<64x128xf32, #tpu.memory_space<vmem>>) target(%dma_start3A_357 : memref<64x128xf32, #tpu.memory_space<hbm>>) target_semaphore(%arg33 : memref<!tpu.dma_semaphore, #tpu.memory_space<semaphore_mem>>)
      %add3A_362 = arith.constant 8 : i32
      %add3A_363 = arith.addi %add3A_320, %add3A_362 : i32
      %sub3A_364 = arith.constant 1 : i32
      %sub3A_365 = arith.subi %add3A_363, %sub3A_364 : i32
      %lt3A_366 = arith.constant 400 : i32
      %lt3A_367 = arith.cmpi slt, %sub3A_365, %lt3A_366 : i32
      %convert_element_type3A_368 = arith.extui %lt3A_367 : i1 to i32
      %cond3A_369 = arith.constant 0 : i32
      %cond3A_370 = arith.cmpi ne, %convert_element_type3A_368, %cond3A_369 : i32
      scf.if %cond3A_370 {
        %add3A_587 = arith.constant 448 : i32
        %add3A_588 = arith.addi %add3A_323, %add3A_587 : i32
        %dma_start3A_589 = tpu.memref_slice %arg2[%add3A_588] : memref<819200xi32, #tpu.memory_space<hbm>> -> memref<64xi32, #tpu.memory_space<hbm>>
        %dma_start3A_590 = tpu.memref_slice %arg2[%add3A_588] : memref<819200xi32, #tpu.memory_space<hbm>> -> memref<64xi32, #tpu.memory_space<hbm>>
        tpu.enqueue_dma source(%dma_start3A_590 : memref<64xi32, #tpu.memory_space<hbm>>) target(%arg7 : memref<64xi32, #tpu.memory_space<vmem>>) target_semaphore(%arg17 : memref<!tpu.dma_semaphore, #tpu.memory_space<semaphore_mem>>)
      } else {
      }
      %mul3A_371 = arith.constant 8 : i32
      %mul3A_372 = arith.muli %scan3A_183, %mul3A_371 : i32
      %add3A_373 = arith.constant 4 : i32
      %add3A_374 = arith.addi %mul3A_372, %add3A_373 : i32
      %mul3A_375 = arith.constant 64 : i32
      %mul3A_376 = arith.muli %add3A_374, %mul3A_375 : i32
      %add3A_377 = arith.addi %mul3A_2, %mul3A_376 : i32
      %dma_wait3A_378 = tpu.memref_slice %arg2[%add3A_377] : memref<819200xi32, #tpu.memory_space<hbm>> -> memref<64xi32, #tpu.memory_space<hbm>>
      %dma_wait3A_379 = tpu.memref_slice %arg2[%add3A_377] : memref<819200xi32, #tpu.memory_space<hbm>> -> memref<64xi32, #tpu.memory_space<hbm>>
      tpu.wait_dma2 semaphore(%arg19 : memref<!tpu.dma_semaphore, #tpu.memory_space<semaphore_mem>>) src(%dma_wait3A_379 : memref<64xi32, #tpu.memory_space<hbm>>) dst(%arg9 : memref<64xi32, #tpu.memory_space<vmem>>)
      %gt3A_380 = arith.constant 0 : i32
      %gt3A_381 = arith.cmpi sgt, %scan3A_183, %gt3A_380 : i32
      %convert_element_type3A_382 = arith.extui %gt3A_381 : i1 to i32
      %cond3A_383 = arith.constant 0 : i32
      %cond3A_384 = arith.cmpi ne, %convert_element_type3A_382, %cond3A_383 : i32
      scf.if %cond3A_384 {
        %sub3A_587 = arith.constant 512 : i32
        %sub3A_588 = arith.subi %add3A_377, %sub3A_587 : i32
        %dma_wait3A_589 = arith.constant 4 : i32
        %dma_wait3A_590 = arith.constant 0 : i32
        %dma_wait3A_591 = arith.constant 0 : i32
        %dma_wait3A_592 = tpu.memref_slice %arg13[%dma_wait3A_589, %dma_wait3A_590, %dma_wait3A_591] : memref<8x64x128xf32, #tpu.memory_space<vmem>> -> memref<1x64x128xf32, #tpu.memory_space<vmem>>
        %dma_wait3A_593 = tpu.memref_squeeze %dma_wait3A_592 : memref<1x64x128xf32, #tpu.memory_space<vmem>> -> memref<64x128xf32, #tpu.memory_space<vmem>>
        %dma_wait3A_594 = arith.constant 0 : i32
        %dma_wait3A_595 = tpu.memref_slice %arg4[%sub3A_588, %dma_wait3A_594] : memref<819200x128xf32, #tpu.memory_space<hbm>> -> memref<64x128xf32, #tpu.memory_space<hbm>>
        %dma_wait3A_596 = arith.constant 0 : i32
        %dma_wait3A_597 = tpu.memref_slice %arg4[%sub3A_588, %dma_wait3A_596] : memref<819200x128xf32, #tpu.memory_space<hbm>> -> memref<64x128xf32, #tpu.memory_space<hbm>>
        %dma_wait3A_598 = arith.constant 0 : i32
        %dma_wait3A_599 = arith.constant 0 : i32
        %dma_wait3A_600 = tpu.memref_slice %arg13[%dma_wait3A_589, %dma_wait3A_598, %dma_wait3A_599] : memref<8x64x128xf32, #tpu.memory_space<vmem>> -> memref<1x64x128xf32, #tpu.memory_space<vmem>>
        %dma_wait3A_601 = tpu.memref_squeeze %dma_wait3A_600 : memref<1x64x128xf32, #tpu.memory_space<vmem>> -> memref<64x128xf32, #tpu.memory_space<vmem>>
        tpu.wait_dma2 semaphore(%arg35 : memref<!tpu.dma_semaphore, #tpu.memory_space<semaphore_mem>>) src(%dma_wait3A_601 : memref<64x128xf32, #tpu.memory_space<vmem>>) dst(%dma_wait3A_597 : memref<64x128xf32, #tpu.memory_space<hbm>>)
      } else {
      }
      %dma_start3A_385 = arith.constant 4 : i32
      %dma_start3A_386 = arith.constant 0 : i32
      %dma_start3A_387 = arith.constant 0 : i32
      %dma_start3A_388 = tpu.memref_slice %arg13[%dma_start3A_385, %dma_start3A_386, %dma_start3A_387] : memref<8x64x128xf32, #tpu.memory_space<vmem>> -> memref<1x64x128xf32, #tpu.memory_space<vmem>>
      %dma_start3A_389 = tpu.memref_squeeze %dma_start3A_388 : memref<1x64x128xf32, #tpu.memory_space<vmem>> -> memref<64x128xf32, #tpu.memory_space<vmem>>
      %dma_start3A_390 = arith.constant 0 : i32
      %dma_start3A_391 = arith.constant 0 : i32
      %dma_start3A_392 = tpu.memref_slice %arg14[%dma_start3A_390, %dma_start3A_391] : memref<1000x128xf32, #tpu.memory_space<vmem_shared>> -> memref<1000x128xf32, #tpu.memory_space<vmem_shared>>
      tpu.enqueue_indirect_dma source(%dma_start3A_392 : memref<1000x128xf32, #tpu.memory_space<vmem_shared>>) target(%dma_start3A_389 : memref<64x128xf32, #tpu.memory_space<vmem>>) offsets(%arg9 : memref<64xi32, #tpu.memory_space<vmem>>) semaphore(%arg27 : memref<!tpu.dma_semaphore, #tpu.memory_space<semaphore_mem>>)
      %dma_wait3A_393 = arith.constant 3 : i32
      %dma_wait3A_394 = arith.constant 0 : i32
      %dma_wait3A_395 = arith.constant 0 : i32
      %dma_wait3A_396 = tpu.memref_slice %arg13[%dma_wait3A_393, %dma_wait3A_394, %dma_wait3A_395] : memref<8x64x128xf32, #tpu.memory_space<vmem>> -> memref<1x64x128xf32, #tpu.memory_space<vmem>>
      %dma_wait3A_397 = tpu.memref_squeeze %dma_wait3A_396 : memref<1x64x128xf32, #tpu.memory_space<vmem>> -> memref<64x128xf32, #tpu.memory_space<vmem>>
      %dma_wait3A_398 = arith.constant 0 : i32
      %dma_wait3A_399 = arith.constant 0 : i32
      %dma_wait3A_400 = tpu.memref_slice %arg14[%dma_wait3A_398, %dma_wait3A_399] : memref<1000x128xf32, #tpu.memory_space<vmem_shared>> -> memref<1000x128xf32, #tpu.memory_space<vmem_shared>>
      tpu.wait_indirect_dma semaphore(%arg26 : memref<!tpu.dma_semaphore, #tpu.memory_space<semaphore_mem>>) src(%dma_wait3A_400 : memref<1000x128xf32, #tpu.memory_space<vmem_shared>>) dst(%dma_wait3A_397 : memref<64x128xf32, #tpu.memory_space<vmem>>)
      %sub3A_401 = arith.constant 64 : i32
      %sub3A_402 = arith.subi %add3A_377, %sub3A_401 : i32
      %dma_start3A_403 = arith.constant 3 : i32
      %dma_start3A_404 = arith.constant 0 : i32
      %dma_start3A_405 = arith.constant 0 : i32
      %dma_start3A_406 = tpu.memref_slice %arg13[%dma_start3A_403, %dma_start3A_404, %dma_start3A_405] : memref<8x64x128xf32, #tpu.memory_space<vmem>> -> memref<1x64x128xf32, #tpu.memory_space<vmem>>
      %dma_start3A_407 = tpu.memref_squeeze %dma_start3A_406 : memref<1x64x128xf32, #tpu.memory_space<vmem>> -> memref<64x128xf32, #tpu.memory_space<vmem>>
      %dma_start3A_408 = arith.constant 0 : i32
      %dma_start3A_409 = tpu.memref_slice %arg4[%sub3A_402, %dma_start3A_408] : memref<819200x128xf32, #tpu.memory_space<hbm>> -> memref<64x128xf32, #tpu.memory_space<hbm>>
      %dma_start3A_410 = arith.constant 0 : i32
      %dma_start3A_411 = tpu.memref_slice %arg4[%sub3A_402, %dma_start3A_410] : memref<819200x128xf32, #tpu.memory_space<hbm>> -> memref<64x128xf32, #tpu.memory_space<hbm>>
      %dma_start3A_412 = arith.constant 0 : i32
      %dma_start3A_413 = arith.constant 0 : i32
      %dma_start3A_414 = tpu.memref_slice %arg13[%dma_start3A_403, %dma_start3A_412, %dma_start3A_413] : memref<8x64x128xf32, #tpu.memory_space<vmem>> -> memref<1x64x128xf32, #tpu.memory_space<vmem>>
      %dma_start3A_415 = tpu.memref_squeeze %dma_start3A_414 : memref<1x64x128xf32, #tpu.memory_space<vmem>> -> memref<64x128xf32, #tpu.memory_space<vmem>>
      tpu.enqueue_dma source(%dma_start3A_415 : memref<64x128xf32, #tpu.memory_space<vmem>>) target(%dma_start3A_411 : memref<64x128xf32, #tpu.memory_space<hbm>>) target_semaphore(%arg34 : memref<!tpu.dma_semaphore, #tpu.memory_space<semaphore_mem>>)
      %add3A_416 = arith.constant 8 : i32
      %add3A_417 = arith.addi %add3A_374, %add3A_416 : i32
      %sub3A_418 = arith.constant 1 : i32
      %sub3A_419 = arith.subi %add3A_417, %sub3A_418 : i32
      %lt3A_420 = arith.constant 400 : i32
      %lt3A_421 = arith.cmpi slt, %sub3A_419, %lt3A_420 : i32
      %convert_element_type3A_422 = arith.extui %lt3A_421 : i1 to i32
      %cond3A_423 = arith.constant 0 : i32
      %cond3A_424 = arith.cmpi ne, %convert_element_type3A_422, %cond3A_423 : i32
      scf.if %cond3A_424 {
        %add3A_587 = arith.constant 448 : i32
        %add3A_588 = arith.addi %add3A_377, %add3A_587 : i32
        %dma_start3A_589 = tpu.memref_slice %arg2[%add3A_588] : memref<819200xi32, #tpu.memory_space<hbm>> -> memref<64xi32, #tpu.memory_space<hbm>>
        %dma_start3A_590 = tpu.memref_slice %arg2[%add3A_588] : memref<819200xi32, #tpu.memory_space<hbm>> -> memref<64xi32, #tpu.memory_space<hbm>>
        tpu.enqueue_dma source(%dma_start3A_590 : memref<64xi32, #tpu.memory_space<hbm>>) target(%arg8 : memref<64xi32, #tpu.memory_space<vmem>>) target_semaphore(%arg18 : memref<!tpu.dma_semaphore, #tpu.memory_space<semaphore_mem>>)
      } else {
      }
      %mul3A_425 = arith.constant 8 : i32
      %mul3A_426 = arith.muli %scan3A_183, %mul3A_425 : i32
      %add3A_427 = arith.constant 5 : i32
      %add3A_428 = arith.addi %mul3A_426, %add3A_427 : i32
      %mul3A_429 = arith.constant 64 : i32
      %mul3A_430 = arith.muli %add3A_428, %mul3A_429 : i32
      %add3A_431 = arith.addi %mul3A_2, %mul3A_430 : i32
      %dma_wait3A_432 = tpu.memref_slice %arg2[%add3A_431] : memref<819200xi32, #tpu.memory_space<hbm>> -> memref<64xi32, #tpu.memory_space<hbm>>
      %dma_wait3A_433 = tpu.memref_slice %arg2[%add3A_431] : memref<819200xi32, #tpu.memory_space<hbm>> -> memref<64xi32, #tpu.memory_space<hbm>>
      tpu.wait_dma2 semaphore(%arg20 : memref<!tpu.dma_semaphore, #tpu.memory_space<semaphore_mem>>) src(%dma_wait3A_433 : memref<64xi32, #tpu.memory_space<hbm>>) dst(%arg10 : memref<64xi32, #tpu.memory_space<vmem>>)
      %gt3A_434 = arith.constant 0 : i32
      %gt3A_435 = arith.cmpi sgt, %scan3A_183, %gt3A_434 : i32
      %convert_element_type3A_436 = arith.extui %gt3A_435 : i1 to i32
      %cond3A_437 = arith.constant 0 : i32
      %cond3A_438 = arith.cmpi ne, %convert_element_type3A_436, %cond3A_437 : i32
      scf.if %cond3A_438 {
        %sub3A_587 = arith.constant 512 : i32
        %sub3A_588 = arith.subi %add3A_431, %sub3A_587 : i32
        %dma_wait3A_589 = arith.constant 5 : i32
        %dma_wait3A_590 = arith.constant 0 : i32
        %dma_wait3A_591 = arith.constant 0 : i32
        %dma_wait3A_592 = tpu.memref_slice %arg13[%dma_wait3A_589, %dma_wait3A_590, %dma_wait3A_591] : memref<8x64x128xf32, #tpu.memory_space<vmem>> -> memref<1x64x128xf32, #tpu.memory_space<vmem>>
        %dma_wait3A_593 = tpu.memref_squeeze %dma_wait3A_592 : memref<1x64x128xf32, #tpu.memory_space<vmem>> -> memref<64x128xf32, #tpu.memory_space<vmem>>
        %dma_wait3A_594 = arith.constant 0 : i32
        %dma_wait3A_595 = tpu.memref_slice %arg4[%sub3A_588, %dma_wait3A_594] : memref<819200x128xf32, #tpu.memory_space<hbm>> -> memref<64x128xf32, #tpu.memory_space<hbm>>
        %dma_wait3A_596 = arith.constant 0 : i32
        %dma_wait3A_597 = tpu.memref_slice %arg4[%sub3A_588, %dma_wait3A_596] : memref<819200x128xf32, #tpu.memory_space<hbm>> -> memref<64x128xf32, #tpu.memory_space<hbm>>
        %dma_wait3A_598 = arith.constant 0 : i32
        %dma_wait3A_599 = arith.constant 0 : i32
        %dma_wait3A_600 = tpu.memref_slice %arg13[%dma_wait3A_589, %dma_wait3A_598, %dma_wait3A_599] : memref<8x64x128xf32, #tpu.memory_space<vmem>> -> memref<1x64x128xf32, #tpu.memory_space<vmem>>
        %dma_wait3A_601 = tpu.memref_squeeze %dma_wait3A_600 : memref<1x64x128xf32, #tpu.memory_space<vmem>> -> memref<64x128xf32, #tpu.memory_space<vmem>>
        tpu.wait_dma2 semaphore(%arg36 : memref<!tpu.dma_semaphore, #tpu.memory_space<semaphore_mem>>) src(%dma_wait3A_601 : memref<64x128xf32, #tpu.memory_space<vmem>>) dst(%dma_wait3A_597 : memref<64x128xf32, #tpu.memory_space<hbm>>)
      } else {
      }
      %dma_start3A_439 = arith.constant 5 : i32
      %dma_start3A_440 = arith.constant 0 : i32
      %dma_start3A_441 = arith.constant 0 : i32
      %dma_start3A_442 = tpu.memref_slice %arg13[%dma_start3A_439, %dma_start3A_440, %dma_start3A_441] : memref<8x64x128xf32, #tpu.memory_space<vmem>> -> memref<1x64x128xf32, #tpu.memory_space<vmem>>
      %dma_start3A_443 = tpu.memref_squeeze %dma_start3A_442 : memref<1x64x128xf32, #tpu.memory_space<vmem>> -> memref<64x128xf32, #tpu.memory_space<vmem>>
      %dma_start3A_444 = arith.constant 0 : i32
      %dma_start3A_445 = arith.constant 0 : i32
      %dma_start3A_446 = tpu.memref_slice %arg14[%dma_start3A_444, %dma_start3A_445] : memref<1000x128xf32, #tpu.memory_space<vmem_shared>> -> memref<1000x128xf32, #tpu.memory_space<vmem_shared>>
      tpu.enqueue_indirect_dma source(%dma_start3A_446 : memref<1000x128xf32, #tpu.memory_space<vmem_shared>>) target(%dma_start3A_443 : memref<64x128xf32, #tpu.memory_space<vmem>>) offsets(%arg10 : memref<64xi32, #tpu.memory_space<vmem>>) semaphore(%arg28 : memref<!tpu.dma_semaphore, #tpu.memory_space<semaphore_mem>>)
      %dma_wait3A_447 = arith.constant 4 : i32
      %dma_wait3A_448 = arith.constant 0 : i32
      %dma_wait3A_449 = arith.constant 0 : i32
      %dma_wait3A_450 = tpu.memref_slice %arg13[%dma_wait3A_447, %dma_wait3A_448, %dma_wait3A_449] : memref<8x64x128xf32, #tpu.memory_space<vmem>> -> memref<1x64x128xf32, #tpu.memory_space<vmem>>
      %dma_wait3A_451 = tpu.memref_squeeze %dma_wait3A_450 : memref<1x64x128xf32, #tpu.memory_space<vmem>> -> memref<64x128xf32, #tpu.memory_space<vmem>>
      %dma_wait3A_452 = arith.constant 0 : i32
      %dma_wait3A_453 = arith.constant 0 : i32
      %dma_wait3A_454 = tpu.memref_slice %arg14[%dma_wait3A_452, %dma_wait3A_453] : memref<1000x128xf32, #tpu.memory_space<vmem_shared>> -> memref<1000x128xf32, #tpu.memory_space<vmem_shared>>
      tpu.wait_indirect_dma semaphore(%arg27 : memref<!tpu.dma_semaphore, #tpu.memory_space<semaphore_mem>>) src(%dma_wait3A_454 : memref<1000x128xf32, #tpu.memory_space<vmem_shared>>) dst(%dma_wait3A_451 : memref<64x128xf32, #tpu.memory_space<vmem>>)
      %sub3A_455 = arith.constant 64 : i32
      %sub3A_456 = arith.subi %add3A_431, %sub3A_455 : i32
      %dma_start3A_457 = arith.constant 4 : i32
      %dma_start3A_458 = arith.constant 0 : i32
      %dma_start3A_459 = arith.constant 0 : i32
      %dma_start3A_460 = tpu.memref_slice %arg13[%dma_start3A_457, %dma_start3A_458, %dma_start3A_459] : memref<8x64x128xf32, #tpu.memory_space<vmem>> -> memref<1x64x128xf32, #tpu.memory_space<vmem>>
      %dma_start3A_461 = tpu.memref_squeeze %dma_start3A_460 : memref<1x64x128xf32, #tpu.memory_space<vmem>> -> memref<64x128xf32, #tpu.memory_space<vmem>>
      %dma_start3A_462 = arith.constant 0 : i32
      %dma_start3A_463 = tpu.memref_slice %arg4[%sub3A_456, %dma_start3A_462] : memref<819200x128xf32, #tpu.memory_space<hbm>> -> memref<64x128xf32, #tpu.memory_space<hbm>>
      %dma_start3A_464 = arith.constant 0 : i32
      %dma_start3A_465 = tpu.memref_slice %arg4[%sub3A_456, %dma_start3A_464] : memref<819200x128xf32, #tpu.memory_space<hbm>> -> memref<64x128xf32, #tpu.memory_space<hbm>>
      %dma_start3A_466 = arith.constant 0 : i32
      %dma_start3A_467 = arith.constant 0 : i32
      %dma_start3A_468 = tpu.memref_slice %arg13[%dma_start3A_457, %dma_start3A_466, %dma_start3A_467] : memref<8x64x128xf32, #tpu.memory_space<vmem>> -> memref<1x64x128xf32, #tpu.memory_space<vmem>>
      %dma_start3A_469 = tpu.memref_squeeze %dma_start3A_468 : memref<1x64x128xf32, #tpu.memory_space<vmem>> -> memref<64x128xf32, #tpu.memory_space<vmem>>
      tpu.enqueue_dma source(%dma_start3A_469 : memref<64x128xf32, #tpu.memory_space<vmem>>) target(%dma_start3A_465 : memref<64x128xf32, #tpu.memory_space<hbm>>) target_semaphore(%arg35 : memref<!tpu.dma_semaphore, #tpu.memory_space<semaphore_mem>>)
      %add3A_470 = arith.constant 8 : i32
      %add3A_471 = arith.addi %add3A_428, %add3A_470 : i32
      %sub3A_472 = arith.constant 1 : i32
      %sub3A_473 = arith.subi %add3A_471, %sub3A_472 : i32
      %lt3A_474 = arith.constant 400 : i32
      %lt3A_475 = arith.cmpi slt, %sub3A_473, %lt3A_474 : i32
      %convert_element_type3A_476 = arith.extui %lt3A_475 : i1 to i32
      %cond3A_477 = arith.constant 0 : i32
      %cond3A_478 = arith.cmpi ne, %convert_element_type3A_476, %cond3A_477 : i32
      scf.if %cond3A_478 {
        %add3A_587 = arith.constant 448 : i32
        %add3A_588 = arith.addi %add3A_431, %add3A_587 : i32
        %dma_start3A_589 = tpu.memref_slice %arg2[%add3A_588] : memref<819200xi32, #tpu.memory_space<hbm>> -> memref<64xi32, #tpu.memory_space<hbm>>
        %dma_start3A_590 = tpu.memref_slice %arg2[%add3A_588] : memref<819200xi32, #tpu.memory_space<hbm>> -> memref<64xi32, #tpu.memory_space<hbm>>
        tpu.enqueue_dma source(%dma_start3A_590 : memref<64xi32, #tpu.memory_space<hbm>>) target(%arg9 : memref<64xi32, #tpu.memory_space<vmem>>) target_semaphore(%arg19 : memref<!tpu.dma_semaphore, #tpu.memory_space<semaphore_mem>>)
      } else {
      }
      %mul3A_479 = arith.constant 8 : i32
      %mul3A_480 = arith.muli %scan3A_183, %mul3A_479 : i32
      %add3A_481 = arith.constant 6 : i32
      %add3A_482 = arith.addi %mul3A_480, %add3A_481 : i32
      %mul3A_483 = arith.constant 64 : i32
      %mul3A_484 = arith.muli %add3A_482, %mul3A_483 : i32
      %add3A_485 = arith.addi %mul3A_2, %mul3A_484 : i32
      %dma_wait3A_486 = tpu.memref_slice %arg2[%add3A_485] : memref<819200xi32, #tpu.memory_space<hbm>> -> memref<64xi32, #tpu.memory_space<hbm>>
      %dma_wait3A_487 = tpu.memref_slice %arg2[%add3A_485] : memref<819200xi32, #tpu.memory_space<hbm>> -> memref<64xi32, #tpu.memory_space<hbm>>
      tpu.wait_dma2 semaphore(%arg21 : memref<!tpu.dma_semaphore, #tpu.memory_space<semaphore_mem>>) src(%dma_wait3A_487 : memref<64xi32, #tpu.memory_space<hbm>>) dst(%arg11 : memref<64xi32, #tpu.memory_space<vmem>>)
      %gt3A_488 = arith.constant 0 : i32
      %gt3A_489 = arith.cmpi sgt, %scan3A_183, %gt3A_488 : i32
      %convert_element_type3A_490 = arith.extui %gt3A_489 : i1 to i32
      %cond3A_491 = arith.constant 0 : i32
      %cond3A_492 = arith.cmpi ne, %convert_element_type3A_490, %cond3A_491 : i32
      scf.if %cond3A_492 {
        %sub3A_587 = arith.constant 512 : i32
        %sub3A_588 = arith.subi %add3A_485, %sub3A_587 : i32
        %dma_wait3A_589 = arith.constant 6 : i32
        %dma_wait3A_590 = arith.constant 0 : i32
        %dma_wait3A_591 = arith.constant 0 : i32
        %dma_wait3A_592 = tpu.memref_slice %arg13[%dma_wait3A_589, %dma_wait3A_590, %dma_wait3A_591] : memref<8x64x128xf32, #tpu.memory_space<vmem>> -> memref<1x64x128xf32, #tpu.memory_space<vmem>>
        %dma_wait3A_593 = tpu.memref_squeeze %dma_wait3A_592 : memref<1x64x128xf32, #tpu.memory_space<vmem>> -> memref<64x128xf32, #tpu.memory_space<vmem>>
        %dma_wait3A_594 = arith.constant 0 : i32
        %dma_wait3A_595 = tpu.memref_slice %arg4[%sub3A_588, %dma_wait3A_594] : memref<819200x128xf32, #tpu.memory_space<hbm>> -> memref<64x128xf32, #tpu.memory_space<hbm>>
        %dma_wait3A_596 = arith.constant 0 : i32
        %dma_wait3A_597 = tpu.memref_slice %arg4[%sub3A_588, %dma_wait3A_596] : memref<819200x128xf32, #tpu.memory_space<hbm>> -> memref<64x128xf32, #tpu.memory_space<hbm>>
        %dma_wait3A_598 = arith.constant 0 : i32
        %dma_wait3A_599 = arith.constant 0 : i32
        %dma_wait3A_600 = tpu.memref_slice %arg13[%dma_wait3A_589, %dma_wait3A_598, %dma_wait3A_599] : memref<8x64x128xf32, #tpu.memory_space<vmem>> -> memref<1x64x128xf32, #tpu.memory_space<vmem>>
        %dma_wait3A_601 = tpu.memref_squeeze %dma_wait3A_600 : memref<1x64x128xf32, #tpu.memory_space<vmem>> -> memref<64x128xf32, #tpu.memory_space<vmem>>
        tpu.wait_dma2 semaphore(%arg37 : memref<!tpu.dma_semaphore, #tpu.memory_space<semaphore_mem>>) src(%dma_wait3A_601 : memref<64x128xf32, #tpu.memory_space<vmem>>) dst(%dma_wait3A_597 : memref<64x128xf32, #tpu.memory_space<hbm>>)
      } else {
      }
      %dma_start3A_493 = arith.constant 6 : i32
      %dma_start3A_494 = arith.constant 0 : i32
      %dma_start3A_495 = arith.constant 0 : i32
      %dma_start3A_496 = tpu.memref_slice %arg13[%dma_start3A_493, %dma_start3A_494, %dma_start3A_495] : memref<8x64x128xf32, #tpu.memory_space<vmem>> -> memref<1x64x128xf32, #tpu.memory_space<vmem>>
      %dma_start3A_497 = tpu.memref_squeeze %dma_start3A_496 : memref<1x64x128xf32, #tpu.memory_space<vmem>> -> memref<64x128xf32, #tpu.memory_space<vmem>>
      %dma_start3A_498 = arith.constant 0 : i32
      %dma_start3A_499 = arith.constant 0 : i32
      %dma_start3A_500 = tpu.memref_slice %arg14[%dma_start3A_498, %dma_start3A_499] : memref<1000x128xf32, #tpu.memory_space<vmem_shared>> -> memref<1000x128xf32, #tpu.memory_space<vmem_shared>>
      tpu.enqueue_indirect_dma source(%dma_start3A_500 : memref<1000x128xf32, #tpu.memory_space<vmem_shared>>) target(%dma_start3A_497 : memref<64x128xf32, #tpu.memory_space<vmem>>) offsets(%arg11 : memref<64xi32, #tpu.memory_space<vmem>>) semaphore(%arg29 : memref<!tpu.dma_semaphore, #tpu.memory_space<semaphore_mem>>)
      %dma_wait3A_501 = arith.constant 5 : i32
      %dma_wait3A_502 = arith.constant 0 : i32
      %dma_wait3A_503 = arith.constant 0 : i32
      %dma_wait3A_504 = tpu.memref_slice %arg13[%dma_wait3A_501, %dma_wait3A_502, %dma_wait3A_503] : memref<8x64x128xf32, #tpu.memory_space<vmem>> -> memref<1x64x128xf32, #tpu.memory_space<vmem>>
      %dma_wait3A_505 = tpu.memref_squeeze %dma_wait3A_504 : memref<1x64x128xf32, #tpu.memory_space<vmem>> -> memref<64x128xf32, #tpu.memory_space<vmem>>
      %dma_wait3A_506 = arith.constant 0 : i32
      %dma_wait3A_507 = arith.constant 0 : i32
      %dma_wait3A_508 = tpu.memref_slice %arg14[%dma_wait3A_506, %dma_wait3A_507] : memref<1000x128xf32, #tpu.memory_space<vmem_shared>> -> memref<1000x128xf32, #tpu.memory_space<vmem_shared>>
      tpu.wait_indirect_dma semaphore(%arg28 : memref<!tpu.dma_semaphore, #tpu.memory_space<semaphore_mem>>) src(%dma_wait3A_508 : memref<1000x128xf32, #tpu.memory_space<vmem_shared>>) dst(%dma_wait3A_505 : memref<64x128xf32, #tpu.memory_space<vmem>>)
      %sub3A_509 = arith.constant 64 : i32
      %sub3A_510 = arith.subi %add3A_485, %sub3A_509 : i32
      %dma_start3A_511 = arith.constant 5 : i32
      %dma_start3A_512 = arith.constant 0 : i32
      %dma_start3A_513 = arith.constant 0 : i32
      %dma_start3A_514 = tpu.memref_slice %arg13[%dma_start3A_511, %dma_start3A_512, %dma_start3A_513] : memref<8x64x128xf32, #tpu.memory_space<vmem>> -> memref<1x64x128xf32, #tpu.memory_space<vmem>>
      %dma_start3A_515 = tpu.memref_squeeze %dma_start3A_514 : memref<1x64x128xf32, #tpu.memory_space<vmem>> -> memref<64x128xf32, #tpu.memory_space<vmem>>
      %dma_start3A_516 = arith.constant 0 : i32
      %dma_start3A_517 = tpu.memref_slice %arg4[%sub3A_510, %dma_start3A_516] : memref<819200x128xf32, #tpu.memory_space<hbm>> -> memref<64x128xf32, #tpu.memory_space<hbm>>
      %dma_start3A_518 = arith.constant 0 : i32
      %dma_start3A_519 = tpu.memref_slice %arg4[%sub3A_510, %dma_start3A_518] : memref<819200x128xf32, #tpu.memory_space<hbm>> -> memref<64x128xf32, #tpu.memory_space<hbm>>
      %dma_start3A_520 = arith.constant 0 : i32
      %dma_start3A_521 = arith.constant 0 : i32
      %dma_start3A_522 = tpu.memref_slice %arg13[%dma_start3A_511, %dma_start3A_520, %dma_start3A_521] : memref<8x64x128xf32, #tpu.memory_space<vmem>> -> memref<1x64x128xf32, #tpu.memory_space<vmem>>
      %dma_start3A_523 = tpu.memref_squeeze %dma_start3A_522 : memref<1x64x128xf32, #tpu.memory_space<vmem>> -> memref<64x128xf32, #tpu.memory_space<vmem>>
      tpu.enqueue_dma source(%dma_start3A_523 : memref<64x128xf32, #tpu.memory_space<vmem>>) target(%dma_start3A_519 : memref<64x128xf32, #tpu.memory_space<hbm>>) target_semaphore(%arg36 : memref<!tpu.dma_semaphore, #tpu.memory_space<semaphore_mem>>)
      %add3A_524 = arith.constant 8 : i32
      %add3A_525 = arith.addi %add3A_482, %add3A_524 : i32
      %sub3A_526 = arith.constant 1 : i32
      %sub3A_527 = arith.subi %add3A_525, %sub3A_526 : i32
      %lt3A_528 = arith.constant 400 : i32
      %lt3A_529 = arith.cmpi slt, %sub3A_527, %lt3A_528 : i32
      %convert_element_type3A_530 = arith.extui %lt3A_529 : i1 to i32
      %cond3A_531 = arith.constant 0 : i32
      %cond3A_532 = arith.cmpi ne, %convert_element_type3A_530, %cond3A_531 : i32
      scf.if %cond3A_532 {
        %add3A_587 = arith.constant 448 : i32
        %add3A_588 = arith.addi %add3A_485, %add3A_587 : i32
        %dma_start3A_589 = tpu.memref_slice %arg2[%add3A_588] : memref<819200xi32, #tpu.memory_space<hbm>> -> memref<64xi32, #tpu.memory_space<hbm>>
        %dma_start3A_590 = tpu.memref_slice %arg2[%add3A_588] : memref<819200xi32, #tpu.memory_space<hbm>> -> memref<64xi32, #tpu.memory_space<hbm>>
        tpu.enqueue_dma source(%dma_start3A_590 : memref<64xi32, #tpu.memory_space<hbm>>) target(%arg10 : memref<64xi32, #tpu.memory_space<vmem>>) target_semaphore(%arg20 : memref<!tpu.dma_semaphore, #tpu.memory_space<semaphore_mem>>)
      } else {
      }
      %mul3A_533 = arith.constant 8 : i32
      %mul3A_534 = arith.muli %scan3A_183, %mul3A_533 : i32
      %add3A_535 = arith.constant 7 : i32
      %add3A_536 = arith.addi %mul3A_534, %add3A_535 : i32
      %mul3A_537 = arith.constant 64 : i32
      %mul3A_538 = arith.muli %add3A_536, %mul3A_537 : i32
      %add3A_539 = arith.addi %mul3A_2, %mul3A_538 : i32
      %dma_wait3A_540 = tpu.memref_slice %arg2[%add3A_539] : memref<819200xi32, #tpu.memory_space<hbm>> -> memref<64xi32, #tpu.memory_space<hbm>>
      %dma_wait3A_541 = tpu.memref_slice %arg2[%add3A_539] : memref<819200xi32, #tpu.memory_space<hbm>> -> memref<64xi32, #tpu.memory_space<hbm>>
      tpu.wait_dma2 semaphore(%arg22 : memref<!tpu.dma_semaphore, #tpu.memory_space<semaphore_mem>>) src(%dma_wait3A_541 : memref<64xi32, #tpu.memory_space<hbm>>) dst(%arg12 : memref<64xi32, #tpu.memory_space<vmem>>)
      %gt3A_542 = arith.constant 0 : i32
      %gt3A_543 = arith.cmpi sgt, %scan3A_183, %gt3A_542 : i32
      %convert_element_type3A_544 = arith.extui %gt3A_543 : i1 to i32
      %cond3A_545 = arith.constant 0 : i32
      %cond3A_546 = arith.cmpi ne, %convert_element_type3A_544, %cond3A_545 : i32
      scf.if %cond3A_546 {
        %sub3A_587 = arith.constant 512 : i32
        %sub3A_588 = arith.subi %add3A_539, %sub3A_587 : i32
        %dma_wait3A_589 = arith.constant 7 : i32
        %dma_wait3A_590 = arith.constant 0 : i32
        %dma_wait3A_591 = arith.constant 0 : i32
        %dma_wait3A_592 = tpu.memref_slice %arg13[%dma_wait3A_589, %dma_wait3A_590, %dma_wait3A_591] : memref<8x64x128xf32, #tpu.memory_space<vmem>> -> memref<1x64x128xf32, #tpu.memory_space<vmem>>
        %dma_wait3A_593 = tpu.memref_squeeze %dma_wait3A_592 : memref<1x64x128xf32, #tpu.memory_space<vmem>> -> memref<64x128xf32, #tpu.memory_space<vmem>>
        %dma_wait3A_594 = arith.constant 0 : i32
        %dma_wait3A_595 = tpu.memref_slice %arg4[%sub3A_588, %dma_wait3A_594] : memref<819200x128xf32, #tpu.memory_space<hbm>> -> memref<64x128xf32, #tpu.memory_space<hbm>>
        %dma_wait3A_596 = arith.constant 0 : i32
        %dma_wait3A_597 = tpu.memref_slice %arg4[%sub3A_588, %dma_wait3A_596] : memref<819200x128xf32, #tpu.memory_space<hbm>> -> memref<64x128xf32, #tpu.memory_space<hbm>>
        %dma_wait3A_598 = arith.constant 0 : i32
        %dma_wait3A_599 = arith.constant 0 : i32
        %dma_wait3A_600 = tpu.memref_slice %arg13[%dma_wait3A_589, %dma_wait3A_598, %dma_wait3A_599] : memref<8x64x128xf32, #tpu.memory_space<vmem>> -> memref<1x64x128xf32, #tpu.memory_space<vmem>>
        %dma_wait3A_601 = tpu.memref_squeeze %dma_wait3A_600 : memref<1x64x128xf32, #tpu.memory_space<vmem>> -> memref<64x128xf32, #tpu.memory_space<vmem>>
        tpu.wait_dma2 semaphore(%arg38 : memref<!tpu.dma_semaphore, #tpu.memory_space<semaphore_mem>>) src(%dma_wait3A_601 : memref<64x128xf32, #tpu.memory_space<vmem>>) dst(%dma_wait3A_597 : memref<64x128xf32, #tpu.memory_space<hbm>>)
      } else {
      }
      %dma_start3A_547 = arith.constant 7 : i32
      %dma_start3A_548 = arith.constant 0 : i32
      %dma_start3A_549 = arith.constant 0 : i32
      %dma_start3A_550 = tpu.memref_slice %arg13[%dma_start3A_547, %dma_start3A_548, %dma_start3A_549] : memref<8x64x128xf32, #tpu.memory_space<vmem>> -> memref<1x64x128xf32, #tpu.memory_space<vmem>>
      %dma_start3A_551 = tpu.memref_squeeze %dma_start3A_550 : memref<1x64x128xf32, #tpu.memory_space<vmem>> -> memref<64x128xf32, #tpu.memory_space<vmem>>
      %dma_start3A_552 = arith.constant 0 : i32
      %dma_start3A_553 = arith.constant 0 : i32
      %dma_start3A_554 = tpu.memref_slice %arg14[%dma_start3A_552, %dma_start3A_553] : memref<1000x128xf32, #tpu.memory_space<vmem_shared>> -> memref<1000x128xf32, #tpu.memory_space<vmem_shared>>
      tpu.enqueue_indirect_dma source(%dma_start3A_554 : memref<1000x128xf32, #tpu.memory_space<vmem_shared>>) target(%dma_start3A_551 : memref<64x128xf32, #tpu.memory_space<vmem>>) offsets(%arg12 : memref<64xi32, #tpu.memory_space<vmem>>) semaphore(%arg30 : memref<!tpu.dma_semaphore, #tpu.memory_space<semaphore_mem>>)
      %dma_wait3A_555 = arith.constant 6 : i32
      %dma_wait3A_556 = arith.constant 0 : i32
      %dma_wait3A_557 = arith.constant 0 : i32
      %dma_wait3A_558 = tpu.memref_slice %arg13[%dma_wait3A_555, %dma_wait3A_556, %dma_wait3A_557] : memref<8x64x128xf32, #tpu.memory_space<vmem>> -> memref<1x64x128xf32, #tpu.memory_space<vmem>>
      %dma_wait3A_559 = tpu.memref_squeeze %dma_wait3A_558 : memref<1x64x128xf32, #tpu.memory_space<vmem>> -> memref<64x128xf32, #tpu.memory_space<vmem>>
      %dma_wait3A_560 = arith.constant 0 : i32
      %dma_wait3A_561 = arith.constant 0 : i32
      %dma_wait3A_562 = tpu.memref_slice %arg14[%dma_wait3A_560, %dma_wait3A_561] : memref<1000x128xf32, #tpu.memory_space<vmem_shared>> -> memref<1000x128xf32, #tpu.memory_space<vmem_shared>>
      tpu.wait_indirect_dma semaphore(%arg29 : memref<!tpu.dma_semaphore, #tpu.memory_space<semaphore_mem>>) src(%dma_wait3A_562 : memref<1000x128xf32, #tpu.memory_space<vmem_shared>>) dst(%dma_wait3A_559 : memref<64x128xf32, #tpu.memory_space<vmem>>)
      %sub3A_563 = arith.constant 64 : i32
      %sub3A_564 = arith.subi %add3A_539, %sub3A_563 : i32
      %dma_start3A_565 = arith.constant 6 : i32
      %dma_start3A_566 = arith.constant 0 : i32
      %dma_start3A_567 = arith.constant 0 : i32
      %dma_start3A_568 = tpu.memref_slice %arg13[%dma_start3A_565, %dma_start3A_566, %dma_start3A_567] : memref<8x64x128xf32, #tpu.memory_space<vmem>> -> memref<1x64x128xf32, #tpu.memory_space<vmem>>
      %dma_start3A_569 = tpu.memref_squeeze %dma_start3A_568 : memref<1x64x128xf32, #tpu.memory_space<vmem>> -> memref<64x128xf32, #tpu.memory_space<vmem>>
      %dma_start3A_570 = arith.constant 0 : i32
      %dma_start3A_571 = tpu.memref_slice %arg4[%sub3A_564, %dma_start3A_570] : memref<819200x128xf32, #tpu.memory_space<hbm>> -> memref<64x128xf32, #tpu.memory_space<hbm>>
      %dma_start3A_572 = arith.constant 0 : i32
      %dma_start3A_573 = tpu.memref_slice %arg4[%sub3A_564, %dma_start3A_572] : memref<819200x128xf32, #tpu.memory_space<hbm>> -> memref<64x128xf32, #tpu.memory_space<hbm>>
      %dma_start3A_574 = arith.constant 0 : i32
      %dma_start3A_575 = arith.constant 0 : i32
      %dma_start3A_576 = tpu.memref_slice %arg13[%dma_start3A_565, %dma_start3A_574, %dma_start3A_575] : memref<8x64x128xf32, #tpu.memory_space<vmem>> -> memref<1x64x128xf32, #tpu.memory_space<vmem>>
      %dma_start3A_577 = tpu.memref_squeeze %dma_start3A_576 : memref<1x64x128xf32, #tpu.memory_space<vmem>> -> memref<64x128xf32, #tpu.memory_space<vmem>>
      tpu.enqueue_dma source(%dma_start3A_577 : memref<64x128xf32, #tpu.memory_space<vmem>>) target(%dma_start3A_573 : memref<64x128xf32, #tpu.memory_space<hbm>>) target_semaphore(%arg37 : memref<!tpu.dma_semaphore, #tpu.memory_space<semaphore_mem>>)
      %add3A_578 = arith.constant 8 : i32
      %add3A_579 = arith.addi %add3A_536, %add3A_578 : i32
      %sub3A_580 = arith.constant 1 : i32
      %sub3A_581 = arith.subi %add3A_579, %sub3A_580 : i32
      %lt3A_582 = arith.constant 400 : i32
      %lt3A_583 = arith.cmpi slt, %sub3A_581, %lt3A_582 : i32
      %convert_element_type3A_584 = arith.extui %lt3A_583 : i1 to i32
      %cond3A_585 = arith.constant 0 : i32
      %cond3A_586 = arith.cmpi ne, %convert_element_type3A_584, %cond3A_585 : i32
      scf.if %cond3A_586 {
        %add3A_587 = arith.constant 448 : i32
        %add3A_588 = arith.addi %add3A_539, %add3A_587 : i32
        %dma_start3A_589 = tpu.memref_slice %arg2[%add3A_588] : memref<819200xi32, #tpu.memory_space<hbm>> -> memref<64xi32, #tpu.memory_space<hbm>>
        %dma_start3A_590 = tpu.memref_slice %arg2[%add3A_588] : memref<819200xi32, #tpu.memory_space<hbm>> -> memref<64xi32, #tpu.memory_space<hbm>>
        tpu.enqueue_dma source(%dma_start3A_590 : memref<64xi32, #tpu.memory_space<hbm>>) target(%arg11 : memref<64xi32, #tpu.memory_space<vmem>>) target_semaphore(%arg21 : memref<!tpu.dma_semaphore, #tpu.memory_space<semaphore_mem>>)
      } else {
      }
    }
    %scan3A_40 = arith.constant 50 : i32
    %dma_wait3A = arith.constant 7 : i32
    %dma_wait3A_41 = arith.constant 0 : i32
    %dma_wait3A_42 = arith.constant 0 : i32
    %dma_wait3A_43 = tpu.memref_slice %arg13[%dma_wait3A, %dma_wait3A_41, %dma_wait3A_42] : memref<8x64x128xf32, #tpu.memory_space<vmem>> -> memref<1x64x128xf32, #tpu.memory_space<vmem>>
    %dma_wait3A_44 = tpu.memref_squeeze %dma_wait3A_43 : memref<1x64x128xf32, #tpu.memory_space<vmem>> -> memref<64x128xf32, #tpu.memory_space<vmem>>
    %dma_wait3A_45 = arith.constant 0 : i32
    %dma_wait3A_46 = arith.constant 0 : i32
    %dma_wait3A_47 = tpu.memref_slice %arg14[%dma_wait3A_45, %dma_wait3A_46] : memref<1000x128xf32, #tpu.memory_space<vmem_shared>> -> memref<1000x128xf32, #tpu.memory_space<vmem_shared>>
    tpu.wait_indirect_dma semaphore(%arg30 : memref<!tpu.dma_semaphore, #tpu.memory_space<semaphore_mem>>) src(%dma_wait3A_47 : memref<1000x128xf32, #tpu.memory_space<vmem_shared>>) dst(%dma_wait3A_44 : memref<64x128xf32, #tpu.memory_space<vmem>>)
    %add3A_48 = arith.constant 25536 : i32
    %add3A_49 = arith.addi %mul3A_2, %add3A_48 : i32
    %dma_start3A_50 = arith.constant 7 : i32
    %dma_start3A_51 = arith.constant 0 : i32
    %dma_start3A_52 = arith.constant 0 : i32
    %dma_start3A_53 = tpu.memref_slice %arg13[%dma_start3A_50, %dma_start3A_51, %dma_start3A_52] : memref<8x64x128xf32, #tpu.memory_space<vmem>> -> memref<1x64x128xf32, #tpu.memory_space<vmem>>
    %dma_start3A_54 = tpu.memref_squeeze %dma_start3A_53 : memref<1x64x128xf32, #tpu.memory_space<vmem>> -> memref<64x128xf32, #tpu.memory_space<vmem>>
    %dma_start3A_55 = arith.constant 0 : i32
    %dma_start3A_56 = tpu.memref_slice %arg4[%add3A_49, %dma_start3A_55] : memref<819200x128xf32, #tpu.memory_space<hbm>> -> memref<64x128xf32, #tpu.memory_space<hbm>>
    %dma_start3A_57 = arith.constant 0 : i32
    %dma_start3A_58 = tpu.memref_slice %arg4[%add3A_49, %dma_start3A_57] : memref<819200x128xf32, #tpu.memory_space<hbm>> -> memref<64x128xf32, #tpu.memory_space<hbm>>
    %dma_start3A_59 = arith.constant 0 : i32
    %dma_start3A_60 = arith.constant 0 : i32
    %dma_start3A_61 = tpu.memref_slice %arg13[%dma_start3A_50, %dma_start3A_59, %dma_start3A_60] : memref<8x64x128xf32, #tpu.memory_space<vmem>> -> memref<1x64x128xf32, #tpu.memory_space<vmem>>
    %dma_start3A_62 = tpu.memref_squeeze %dma_start3A_61 : memref<1x64x128xf32, #tpu.memory_space<vmem>> -> memref<64x128xf32, #tpu.memory_space<vmem>>
    tpu.enqueue_dma source(%dma_start3A_62 : memref<64x128xf32, #tpu.memory_space<vmem>>) target(%dma_start3A_58 : memref<64x128xf32, #tpu.memory_space<hbm>>) target_semaphore(%arg38 : memref<!tpu.dma_semaphore, #tpu.memory_space<semaphore_mem>>)
    %add3A_63 = arith.constant 25088 : i32
    %add3A_64 = arith.addi %mul3A_2, %add3A_63 : i32
    %dma_wait3A_65 = arith.constant 0 : i32
    %dma_wait3A_66 = arith.constant 0 : i32
    %dma_wait3A_67 = arith.constant 0 : i32
    %dma_wait3A_68 = tpu.memref_slice %arg13[%dma_wait3A_65, %dma_wait3A_66, %dma_wait3A_67] : memref<8x64x128xf32, #tpu.memory_space<vmem>> -> memref<1x64x128xf32, #tpu.memory_space<vmem>>
    %dma_wait3A_69 = tpu.memref_squeeze %dma_wait3A_68 : memref<1x64x128xf32, #tpu.memory_space<vmem>> -> memref<64x128xf32, #tpu.memory_space<vmem>>
    %dma_wait3A_70 = arith.constant 0 : i32
    %dma_wait3A_71 = tpu.memref_slice %arg4[%add3A_64, %dma_wait3A_70] : memref<819200x128xf32, #tpu.memory_space<hbm>> -> memref<64x128xf32, #tpu.memory_space<hbm>>
    %dma_wait3A_72 = arith.constant 0 : i32
    %dma_wait3A_73 = tpu.memref_slice %arg4[%add3A_64, %dma_wait3A_72] : memref<819200x128xf32, #tpu.memory_space<hbm>> -> memref<64x128xf32, #tpu.memory_space<hbm>>
    %dma_wait3A_74 = arith.constant 0 : i32
    %dma_wait3A_75 = arith.constant 0 : i32
    %dma_wait3A_76 = tpu.memref_slice %arg13[%dma_wait3A_65, %dma_wait3A_74, %dma_wait3A_75] : memref<8x64x128xf32, #tpu.memory_space<vmem>> -> memref<1x64x128xf32, #tpu.memory_space<vmem>>
    %dma_wait3A_77 = tpu.memref_squeeze %dma_wait3A_76 : memref<1x64x128xf32, #tpu.memory_space<vmem>> -> memref<64x128xf32, #tpu.memory_space<vmem>>
    tpu.wait_dma2 semaphore(%arg31 : memref<!tpu.dma_semaphore, #tpu.memory_space<semaphore_mem>>) src(%dma_wait3A_77 : memref<64x128xf32, #tpu.memory_space<vmem>>) dst(%dma_wait3A_73 : memref<64x128xf32, #tpu.memory_space<hbm>>)
    %add3A_78 = arith.constant 25152 : i32
    %add3A_79 = arith.addi %mul3A_2, %add3A_78 : i32
    %dma_wait3A_80 = arith.constant 1 : i32
    %dma_wait3A_81 = arith.constant 0 : i32
    %dma_wait3A_82 = arith.constant 0 : i32
    %dma_wait3A_83 = tpu.memref_slice %arg13[%dma_wait3A_80, %dma_wait3A_81, %dma_wait3A_82] : memref<8x64x128xf32, #tpu.memory_space<vmem>> -> memref<1x64x128xf32, #tpu.memory_space<vmem>>
    %dma_wait3A_84 = tpu.memref_squeeze %dma_wait3A_83 : memref<1x64x128xf32, #tpu.memory_space<vmem>> -> memref<64x128xf32, #tpu.memory_space<vmem>>
    %dma_wait3A_85 = arith.constant 0 : i32
    %dma_wait3A_86 = tpu.memref_slice %arg4[%add3A_79, %dma_wait3A_85] : memref<819200x128xf32, #tpu.memory_space<hbm>> -> memref<64x128xf32, #tpu.memory_space<hbm>>
    %dma_wait3A_87 = arith.constant 0 : i32
    %dma_wait3A_88 = tpu.memref_slice %arg4[%add3A_79, %dma_wait3A_87] : memref<819200x128xf32, #tpu.memory_space<hbm>> -> memref<64x128xf32, #tpu.memory_space<hbm>>
    %dma_wait3A_89 = arith.constant 0 : i32
    %dma_wait3A_90 = arith.constant 0 : i32
    %dma_wait3A_91 = tpu.memref_slice %arg13[%dma_wait3A_80, %dma_wait3A_89, %dma_wait3A_90] : memref<8x64x128xf32, #tpu.memory_space<vmem>> -> memref<1x64x128xf32, #tpu.memory_space<vmem>>
    %dma_wait3A_92 = tpu.memref_squeeze %dma_wait3A_91 : memref<1x64x128xf32, #tpu.memory_space<vmem>> -> memref<64x128xf32, #tpu.memory_space<vmem>>
    tpu.wait_dma2 semaphore(%arg32 : memref<!tpu.dma_semaphore, #tpu.memory_space<semaphore_mem>>) src(%dma_wait3A_92 : memref<64x128xf32, #tpu.memory_space<vmem>>) dst(%dma_wait3A_88 : memref<64x128xf32, #tpu.memory_space<hbm>>)
    %add3A_93 = arith.constant 25216 : i32
    %add3A_94 = arith.addi %mul3A_2, %add3A_93 : i32
    %dma_wait3A_95 = arith.constant 2 : i32
    %dma_wait3A_96 = arith.constant 0 : i32
    %dma_wait3A_97 = arith.constant 0 : i32
    %dma_wait3A_98 = tpu.memref_slice %arg13[%dma_wait3A_95, %dma_wait3A_96, %dma_wait3A_97] : memref<8x64x128xf32, #tpu.memory_space<vmem>> -> memref<1x64x128xf32, #tpu.memory_space<vmem>>
    %dma_wait3A_99 = tpu.memref_squeeze %dma_wait3A_98 : memref<1x64x128xf32, #tpu.memory_space<vmem>> -> memref<64x128xf32, #tpu.memory_space<vmem>>
    %dma_wait3A_100 = arith.constant 0 : i32
    %dma_wait3A_101 = tpu.memref_slice %arg4[%add3A_94, %dma_wait3A_100] : memref<819200x128xf32, #tpu.memory_space<hbm>> -> memref<64x128xf32, #tpu.memory_space<hbm>>
    %dma_wait3A_102 = arith.constant 0 : i32
    %dma_wait3A_103 = tpu.memref_slice %arg4[%add3A_94, %dma_wait3A_102] : memref<819200x128xf32, #tpu.memory_space<hbm>> -> memref<64x128xf32, #tpu.memory_space<hbm>>
    %dma_wait3A_104 = arith.constant 0 : i32
    %dma_wait3A_105 = arith.constant 0 : i32
    %dma_wait3A_106 = tpu.memref_slice %arg13[%dma_wait3A_95, %dma_wait3A_104, %dma_wait3A_105] : memref<8x64x128xf32, #tpu.memory_space<vmem>> -> memref<1x64x128xf32, #tpu.memory_space<vmem>>
    %dma_wait3A_107 = tpu.memref_squeeze %dma_wait3A_106 : memref<1x64x128xf32, #tpu.memory_space<vmem>> -> memref<64x128xf32, #tpu.memory_space<vmem>>
    tpu.wait_dma2 semaphore(%arg33 : memref<!tpu.dma_semaphore, #tpu.memory_space<semaphore_mem>>) src(%dma_wait3A_107 : memref<64x128xf32, #tpu.memory_space<vmem>>) dst(%dma_wait3A_103 : memref<64x128xf32, #tpu.memory_space<hbm>>)
    %add3A_108 = arith.constant 25280 : i32
    %add3A_109 = arith.addi %mul3A_2, %add3A_108 : i32
    %dma_wait3A_110 = arith.constant 3 : i32
    %dma_wait3A_111 = arith.constant 0 : i32
    %dma_wait3A_112 = arith.constant 0 : i32
    %dma_wait3A_113 = tpu.memref_slice %arg13[%dma_wait3A_110, %dma_wait3A_111, %dma_wait3A_112] : memref<8x64x128xf32, #tpu.memory_space<vmem>> -> memref<1x64x128xf32, #tpu.memory_space<vmem>>
    %dma_wait3A_114 = tpu.memref_squeeze %dma_wait3A_113 : memref<1x64x128xf32, #tpu.memory_space<vmem>> -> memref<64x128xf32, #tpu.memory_space<vmem>>
    %dma_wait3A_115 = arith.constant 0 : i32
    %dma_wait3A_116 = tpu.memref_slice %arg4[%add3A_109, %dma_wait3A_115] : memref<819200x128xf32, #tpu.memory_space<hbm>> -> memref<64x128xf32, #tpu.memory_space<hbm>>
    %dma_wait3A_117 = arith.constant 0 : i32
    %dma_wait3A_118 = tpu.memref_slice %arg4[%add3A_109, %dma_wait3A_117] : memref<819200x128xf32, #tpu.memory_space<hbm>> -> memref<64x128xf32, #tpu.memory_space<hbm>>
    %dma_wait3A_119 = arith.constant 0 : i32
    %dma_wait3A_120 = arith.constant 0 : i32
    %dma_wait3A_121 = tpu.memref_slice %arg13[%dma_wait3A_110, %dma_wait3A_119, %dma_wait3A_120] : memref<8x64x128xf32, #tpu.memory_space<vmem>> -> memref<1x64x128xf32, #tpu.memory_space<vmem>>
    %dma_wait3A_122 = tpu.memref_squeeze %dma_wait3A_121 : memref<1x64x128xf32, #tpu.memory_space<vmem>> -> memref<64x128xf32, #tpu.memory_space<vmem>>
    tpu.wait_dma2 semaphore(%arg34 : memref<!tpu.dma_semaphore, #tpu.memory_space<semaphore_mem>>) src(%dma_wait3A_122 : memref<64x128xf32, #tpu.memory_space<vmem>>) dst(%dma_wait3A_118 : memref<64x128xf32, #tpu.memory_space<hbm>>)
    %add3A_123 = arith.constant 25344 : i32
    %add3A_124 = arith.addi %mul3A_2, %add3A_123 : i32
    %dma_wait3A_125 = arith.constant 4 : i32
    %dma_wait3A_126 = arith.constant 0 : i32
    %dma_wait3A_127 = arith.constant 0 : i32
    %dma_wait3A_128 = tpu.memref_slice %arg13[%dma_wait3A_125, %dma_wait3A_126, %dma_wait3A_127] : memref<8x64x128xf32, #tpu.memory_space<vmem>> -> memref<1x64x128xf32, #tpu.memory_space<vmem>>
    %dma_wait3A_129 = tpu.memref_squeeze %dma_wait3A_128 : memref<1x64x128xf32, #tpu.memory_space<vmem>> -> memref<64x128xf32, #tpu.memory_space<vmem>>
    %dma_wait3A_130 = arith.constant 0 : i32
    %dma_wait3A_131 = tpu.memref_slice %arg4[%add3A_124, %dma_wait3A_130] : memref<819200x128xf32, #tpu.memory_space<hbm>> -> memref<64x128xf32, #tpu.memory_space<hbm>>
    %dma_wait3A_132 = arith.constant 0 : i32
    %dma_wait3A_133 = tpu.memref_slice %arg4[%add3A_124, %dma_wait3A_132] : memref<819200x128xf32, #tpu.memory_space<hbm>> -> memref<64x128xf32, #tpu.memory_space<hbm>>
    %dma_wait3A_134 = arith.constant 0 : i32
    %dma_wait3A_135 = arith.constant 0 : i32
    %dma_wait3A_136 = tpu.memref_slice %arg13[%dma_wait3A_125, %dma_wait3A_134, %dma_wait3A_135] : memref<8x64x128xf32, #tpu.memory_space<vmem>> -> memref<1x64x128xf32, #tpu.memory_space<vmem>>
    %dma_wait3A_137 = tpu.memref_squeeze %dma_wait3A_136 : memref<1x64x128xf32, #tpu.memory_space<vmem>> -> memref<64x128xf32, #tpu.memory_space<vmem>>
    tpu.wait_dma2 semaphore(%arg35 : memref<!tpu.dma_semaphore, #tpu.memory_space<semaphore_mem>>) src(%dma_wait3A_137 : memref<64x128xf32, #tpu.memory_space<vmem>>) dst(%dma_wait3A_133 : memref<64x128xf32, #tpu.memory_space<hbm>>)
    %add3A_138 = arith.constant 25408 : i32
    %add3A_139 = arith.addi %mul3A_2, %add3A_138 : i32
    %dma_wait3A_140 = arith.constant 5 : i32
    %dma_wait3A_141 = arith.constant 0 : i32
    %dma_wait3A_142 = arith.constant 0 : i32
    %dma_wait3A_143 = tpu.memref_slice %arg13[%dma_wait3A_140, %dma_wait3A_141, %dma_wait3A_142] : memref<8x64x128xf32, #tpu.memory_space<vmem>> -> memref<1x64x128xf32, #tpu.memory_space<vmem>>
    %dma_wait3A_144 = tpu.memref_squeeze %dma_wait3A_143 : memref<1x64x128xf32, #tpu.memory_space<vmem>> -> memref<64x128xf32, #tpu.memory_space<vmem>>
    %dma_wait3A_145 = arith.constant 0 : i32
    %dma_wait3A_146 = tpu.memref_slice %arg4[%add3A_139, %dma_wait3A_145] : memref<819200x128xf32, #tpu.memory_space<hbm>> -> memref<64x128xf32, #tpu.memory_space<hbm>>
    %dma_wait3A_147 = arith.constant 0 : i32
    %dma_wait3A_148 = tpu.memref_slice %arg4[%add3A_139, %dma_wait3A_147] : memref<819200x128xf32, #tpu.memory_space<hbm>> -> memref<64x128xf32, #tpu.memory_space<hbm>>
    %dma_wait3A_149 = arith.constant 0 : i32
    %dma_wait3A_150 = arith.constant 0 : i32
    %dma_wait3A_151 = tpu.memref_slice %arg13[%dma_wait3A_140, %dma_wait3A_149, %dma_wait3A_150] : memref<8x64x128xf32, #tpu.memory_space<vmem>> -> memref<1x64x128xf32, #tpu.memory_space<vmem>>
    %dma_wait3A_152 = tpu.memref_squeeze %dma_wait3A_151 : memref<1x64x128xf32, #tpu.memory_space<vmem>> -> memref<64x128xf32, #tpu.memory_space<vmem>>
    tpu.wait_dma2 semaphore(%arg36 : memref<!tpu.dma_semaphore, #tpu.memory_space<semaphore_mem>>) src(%dma_wait3A_152 : memref<64x128xf32, #tpu.memory_space<vmem>>) dst(%dma_wait3A_148 : memref<64x128xf32, #tpu.memory_space<hbm>>)
    %add3A_153 = arith.constant 25472 : i32
    %add3A_154 = arith.addi %mul3A_2, %add3A_153 : i32
    %dma_wait3A_155 = arith.constant 6 : i32
    %dma_wait3A_156 = arith.constant 0 : i32
    %dma_wait3A_157 = arith.constant 0 : i32
    %dma_wait3A_158 = tpu.memref_slice %arg13[%dma_wait3A_155, %dma_wait3A_156, %dma_wait3A_157] : memref<8x64x128xf32, #tpu.memory_space<vmem>> -> memref<1x64x128xf32, #tpu.memory_space<vmem>>
    %dma_wait3A_159 = tpu.memref_squeeze %dma_wait3A_158 : memref<1x64x128xf32, #tpu.memory_space<vmem>> -> memref<64x128xf32, #tpu.memory_space<vmem>>
    %dma_wait3A_160 = arith.constant 0 : i32
    %dma_wait3A_161 = tpu.memref_slice %arg4[%add3A_154, %dma_wait3A_160] : memref<819200x128xf32, #tpu.memory_space<hbm>> -> memref<64x128xf32, #tpu.memory_space<hbm>>
    %dma_wait3A_162 = arith.constant 0 : i32
    %dma_wait3A_163 = tpu.memref_slice %arg4[%add3A_154, %dma_wait3A_162] : memref<819200x128xf32, #tpu.memory_space<hbm>> -> memref<64x128xf32, #tpu.memory_space<hbm>>
    %dma_wait3A_164 = arith.constant 0 : i32
    %dma_wait3A_165 = arith.constant 0 : i32
    %dma_wait3A_166 = tpu.memref_slice %arg13[%dma_wait3A_155, %dma_wait3A_164, %dma_wait3A_165] : memref<8x64x128xf32, #tpu.memory_space<vmem>> -> memref<1x64x128xf32, #tpu.memory_space<vmem>>
    %dma_wait3A_167 = tpu.memref_squeeze %dma_wait3A_166 : memref<1x64x128xf32, #tpu.memory_space<vmem>> -> memref<64x128xf32, #tpu.memory_space<vmem>>
    tpu.wait_dma2 semaphore(%arg37 : memref<!tpu.dma_semaphore, #tpu.memory_space<semaphore_mem>>) src(%dma_wait3A_167 : memref<64x128xf32, #tpu.memory_space<vmem>>) dst(%dma_wait3A_163 : memref<64x128xf32, #tpu.memory_space<hbm>>)
    %add3A_168 = arith.constant 25536 : i32
    %add3A_169 = arith.addi %mul3A_2, %add3A_168 : i32
    %dma_wait3A_170 = arith.constant 7 : i32
    %dma_wait3A_171 = arith.constant 0 : i32
    %dma_wait3A_172 = arith.constant 0 : i32
    %dma_wait3A_173 = tpu.memref_slice %arg13[%dma_wait3A_170, %dma_wait3A_171, %dma_wait3A_172] : memref<8x64x128xf32, #tpu.memory_space<vmem>> -> memref<1x64x128xf32, #tpu.memory_space<vmem>>
    %dma_wait3A_174 = tpu.memref_squeeze %dma_wait3A_173 : memref<1x64x128xf32, #tpu.memory_space<vmem>> -> memref<64x128xf32, #tpu.memory_space<vmem>>
    %dma_wait3A_175 = arith.constant 0 : i32
    %dma_wait3A_176 = tpu.memref_slice %arg4[%add3A_169, %dma_wait3A_175] : memref<819200x128xf32, #tpu.memory_space<hbm>> -> memref<64x128xf32, #tpu.memory_space<hbm>>
    %dma_wait3A_177 = arith.constant 0 : i32
    %dma_wait3A_178 = tpu.memref_slice %arg4[%add3A_169, %dma_wait3A_177] : memref<819200x128xf32, #tpu.memory_space<hbm>> -> memref<64x128xf32, #tpu.memory_space<hbm>>
    %dma_wait3A_179 = arith.constant 0 : i32
    %dma_wait3A_180 = arith.constant 0 : i32
    %dma_wait3A_181 = tpu.memref_slice %arg13[%dma_wait3A_170, %dma_wait3A_179, %dma_wait3A_180] : memref<8x64x128xf32, #tpu.memory_space<vmem>> -> memref<1x64x128xf32, #tpu.memory_space<vmem>>
    %dma_wait3A_182 = tpu.memref_squeeze %dma_wait3A_181 : memref<1x64x128xf32, #tpu.memory_space<vmem>> -> memref<64x128xf32, #tpu.memory_space<vmem>>
    tpu.wait_dma2 semaphore(%arg38 : memref<!tpu.dma_semaphore, #tpu.memory_space<semaphore_mem>>) src(%dma_wait3A_182 : memref<64x128xf32, #tpu.memory_space<vmem>>) dst(%dma_wait3A_178 : memref<64x128xf32, #tpu.memory_space<hbm>>)
    return
  }
}

</mosaic_0001>

<sc_bundles>
// kernel: _gather_rows.3.cloned.1.call-start
scs
__scs_entry_jumppad:
0x0: {  	(pc) =	sbr.rel $0x88, $3  }
0x1: {  	(tag) =	ssettag $0x0;
	lr =	simm.s32 $0x1  }
0x2: {  	[smem:$0x3F9F] =	sst lr;
	_ =	strace $0xD0000000  }
0x3: {  	_ = 	snop  }
0x4: {  	_ = 	snop  }
0x5: {  	_ = 	snop  }
0x6: {  	_ = 	snop  }
0x7: {  	_ = 	snop  }
__scs_overlays_trampoline_lowered:
0x8: {  	[smem:$0x3FAE] =	sst s0  }
0x9: {  	[smem:$0x3FAF] =	sst s1  }
0xa: {  	[smem:$0x3FB0] =	sst s2  }
0xb: {  	[smem:$0x3FB1] =	sst s3  }
0xc: {  	[smem:$0x3FB2] =	sst s4  }
0xd: {  	[smem:$0x3FB3] =	sst s5  }
0xe: {  	[smem:$0x3FB4] =	sst s6  }
0xf: {  	[smem:$0x3FB5] =	sst s7  }
0x10: {  	[smem:$0x3FB6] =	sst s8  }
0x11: {  	[smem:$0x3FB7] =	sst s9;
	s0 =	simm.s32 @!p0 $0x0  }
0x12: {  	s1 =	sld [smem:$0x3F9D];
	s0 =	simm.s32 @p0 $0x1  }
0x13: {  	[smem:$0x3FB8] =	sst s0;
	s0 =	simm.s32 @!p1 $0x0  }
0x14: {  	s2 =	sld [smem:$0x3F9C];
	s0 =	simm.s32 @p1 $0x1  }
0x15: {  	[smem:$0x3FB9] =	sst s0;
	s0 =	simm.s32 @!p2 $0x0  }
0x16: {  	s3 =	sld [smem:$0x3FDB];
	s0 =	simm.s32 @p2 $0x1  }
0x17: {  	s4 =	simm.s32 $0x1BF5;
	[smem:$0x3FBB] =	sst s0  }
0x18: {  	s0 =	sld [smem:$0x3F9E];
	_ =	swait.ge [sflag:s4], $0x0  }
0x19: {  	s7 =	sld [smem:$0x3F9F]  }
0x1a: {  	s8 =	sadd.s32 $0xFFFFE003, lr  }
0x1b: {  	s9 =	sadd.s32 $0xFFFFFEF7, lr;
	s5 =	simm.s32 $0xFFFFFFFF;
	p2 =	slt.u32 s8, $0xFFFFF086  }
0x1c: {  	p1 =	slt.u32 s9, $0xF7A;
	s5 =	simm.s32 @!p2 $0x0  }
0x1d: {  	s5 =	simm.s32 @p1 $0x1;
	p0 =	seq.s32 s7, s2  }
0x1e: {  	s7 =	smul.u32 @!p0 $0xF7A, s2;
	p2 =	seq.s32 @!p0 s5, $0x0  }
0x1f: {  	s9 =	smul.u32 $0xF7A, s1;
	s8 =	simm.s32 @!p0 $0x1BF5;
	p2 =	por !p2, p0  }
0x20: {  	[sflag:s8] =	ssyncset.s32 @!p0 $0xFFFFF086;
	s6 =	sadd.s32 @!p0 s3, s7;
	s7 =	simm.s32 @!p0 $0x108  }
0x21: {  	s3 =	sadd.s32 s3, s9;
	s6 =	sadd.s32 @!p0 $0x88, s6;
	s7 =	simm.s32 @p2 $0x1082  }
0x22: {  	[simem:s7], [sflag:s8] =	dma.local @!p0 [hbm:s6], $0xF7A  }
0x23: {  	s9 =	sor.u32 $0xD0000000, s2;
	s6 =	simm.s32 $0x108;
	_ =	swait.ge @!p0 [sflag:s8], $0x0  }
0x24: {  	s3 =	sadd.s32 $0x88, s3;
	s6 =	simm.s32 @!p1 $0x1082;
	[sflag:s4] =	ssyncset.s32 $0xFFFFF086  }
0x25: {  	[simem:s6], [sflag:s4] =	dma.local [hbm:s3], $0xF7A  }
0x26: {  	[smem:$0x3F9F] =	sst s1;
	(tag) =	ssettag s2;
	_ =	strace s9  }
0x27: {  	s1 =	sld [smem:$0x3FAF]  }
0x28: {  	s2 =	sld [smem:$0x3FB0]  }
0x29: {  	s4 =	sld [smem:$0x3FB2]  }
0x2a: {  	p0 =	seq.s32 s5, $0x0;
	s5 =	sld [smem:$0x3FB3]  }
0x2b: {  	s6 =	sld [smem:$0x3FB4]  }
0x2c: {  	s7 =	sld [smem:$0x3FB5]  }
0x2d: {  	s3 =	simm.s32 $0x108;
	s8 =	sld [smem:$0x3FB6]  }
0x2e: {  	s3 =	simm.s32 @!p0 $0x1082;
	s9 =	sld [smem:$0x3FB7]  }
0x2f: {  	lr =	sadd.s32 s0, s3;
	s0 =	sld [smem:$0x3FAE]  }
0x30: {  	s3 =	sld [smem:$0x3FB1]  }
0x31: {  	[smem:$0x3FBA] =	sst s10  }
0x32: {  	s10 =	sld [smem:$0x3FB8];
	_ =	sdelay $0x3  }
0x33: {  	p0 =	seq.s32 s10, $0x1;
	s10 =	sld [smem:$0x3FBA];
	_ =	sdelay $0x3  }
0x34: {  	[smem:$0x3FBA] =	sst s10  }
0x35: {  	s10 =	sld [smem:$0x3FB9];
	_ =	sdelay $0x3  }
0x36: {  	p1 =	seq.s32 s10, $0x1;
	s10 =	sld [smem:$0x3FBA];
	_ =	sdelay $0x3  }
0x37: {  	[smem:$0x3FBA] =	sst s10  }
0x38: {  	s10 =	sld [smem:$0x3FBB]  }
0x39: {  	_ = 	snop;
	(pc) =	sbr.ind lr, $3  }
0x3a: {  	_ = 	snop  }
0x3b: {  	_ = 	snop  }
0x3c: {  	p2 =	seq.s32 s10, $0x1;
	s10 =	sld [smem:$0x3FBA]  }
0x3d: {  	_ =	shalt  }
0x3e: {  	_ =	shalt  }
0x3f: {  	_ =	shalt  }
0x40: {  	_ =	shalt  }
0x41: {  	_ =	shalt  }
0x42: {  	_ =	shalt  }
0x43: {  	_ =	shalt  }
0x44: {  	_ =	shalt  }
0x45: {  	_ =	shalt  }
0x46: {  	_ =	shalt  }
0x47: {  	_ =	shalt  }
0x48: {  	_ =	shalt  }
0x49: {  	_ =	shalt  }
0x4a: {  	_ =	shalt  }
0x4b: {  	_ =	shalt  }
0x4c: {  	_ =	shalt  }
0x4d: {  	_ =	shalt  }
0x4e: {  	_ =	shalt  }
0x4f: {  	_ =	shalt  }
0x50: {  	_ =	shalt  }
0x51: {  	_ =	shalt  }
0x52: {  	_ =	shalt  }
0x53: {  	_ =	shalt  }
0x54: {  	_ =	shalt  }
0x55: {  	_ =	shalt  }
0x56: {  	_ =	shalt  }
0x57: {  	_ =	shalt  }
0x58: {  	_ =	shalt  }
0x59: {  	_ =	shalt  }
0x5a: {  	_ =	shalt  }
0x5b: {  	_ =	shalt  }
0x5c: {  	_ =	shalt  }
0x5d: {  	_ =	shalt  }
0x5e: {  	_ =	shalt  }
0x5f: {  	_ =	shalt  }
0x60: {  	_ =	shalt  }
0x61: {  	_ =	shalt  }
0x62: {  	_ =	shalt  }
0x63: {  	_ =	shalt  }
0x64: {  	_ =	shalt  }
0x65: {  	_ =	shalt  }
0x66: {  	_ =	shalt  }
0x67: {  	_ =	shalt  }
0x68: {  	_ =	shalt  }
0x69: {  	_ =	shalt  }
0x6a: {  	_ =	shalt  }
0x6b: {  	_ =	shalt  }
0x6c: {  	_ =	shalt  }
0x6d: {  	_ =	shalt  }
0x6e: {  	_ =	shalt  }
0x6f: {  	_ =	shalt  }
0x70: {  	_ =	shalt  }
0x71: {  	_ =	shalt  }
0x72: {  	_ =	shalt  }
0x73: {  	_ =	shalt  }
0x74: {  	_ =	shalt  }
0x75: {  	_ =	shalt  }
0x76: {  	_ =	shalt  }
0x77: {  	_ =	shalt  }
0x78: {  	_ =	shalt  }
0x79: {  	_ =	shalt  }
0x7a: {  	_ =	shalt  }
0x7b: {  	_ =	shalt  }
0x7c: {  	_ =	shalt  }
0x7d: {  	_ =	shalt  }
0x7e: {  	_ =	shalt  }
0x7f: {  	_ =	shalt  }
0x80: {  	_ =	shalt  }
0x81: {  	_ =	shalt  }
0x82: {  	_ =	shalt  }
0x83: {  	_ =	shalt  }
0x84: {  	_ =	shalt  }
0x85: {  	_ =	shalt  }
0x86: {  	_ =	shalt  }
0x87: {  	_ =	shalt  }
.Lfunc_end0:
.L_simem_size_0:
called_computation_lowered:
.L_overlay_start_0:
0x88: {  	s2 =	sld [smem:$0x3FD9]  }
0x89: {  	s3 =	sld [smem:$0x3FFE];
	_ =	sdelay $0x1  }
0x8a: {  	s1 =	srdreg.scid  }
0x8b: {  	s0 =	sand.u32 $0x1, s1  }
0x8c: {  	s18 =	sshll.u32 s0, $0xA;
	s2 =	sadd.s32 s3, s2  }
0x8d: {  	s2 =	sadd.s32 s2, s18  }
0x8e: {  	[smem:$0x3FC6] =	sst s2  }
0x8f: {  	_ = 	snop  }
0x90: {  	s2 =	sld [smem:$0x3FC9]  }
0x91: {  	s19 =	sld [smem:$0x3FC8]  }
0x92: {  	s4 =	sld [smem:$0x3FD0];
	(tm) =	ssettm $0x1  }
0x93: {  	s5 =	sld [smem:$0x3FFB];
	_ =	sdelay $0x3  }
0x94: {  	_ =	strace s5  }
0x95: {  	s5 =	sld [smem:$0x3FFC];
	_ =	sdelay $0x3  }
0x96: {  	_ =	strace s5  }
0x97: {  	s5 =	sld [smem:$0x3FFD];
	_ =	sdelay $0x3  }
0x98: {  	_ =	strace s5  }
0x99: {  	_ =	strace $0x8FFFFFFF  }
0x9a: {  	s20 =	sld [smem:$0x3FDB];
	_ =	sdelay $0x1  }
0x9b: {  	s6 =	simm.s32 $_scs_section_size  }
0x9c: {  	s7 =	simm.s32 $_size__tile_overlayer_lowered;
	s8 =	simm.s32 $_tile_overlayer_lowered  }
0x9d: {  	s23 =	simm.s32 $0x1BFF;
	s22 =	sshll.u32 s8, $0x1;
	s5 =	sadd.s32 s6, s20  }
0x9e: {  	s9 =	simm.s32 $0x0;
	s21 =	sshll.u32 s7, $0x1;
	s7 =	sadd.s32 s22, s5  }
0x9f: {  	[timem:s9], [sflag:s23] =	dma.local [hbm:s7], s21  }
0xa0: {  	_ =	swait.ge [sflag:s23], s21  }
0xa1: {  	s6 =	ssub.s32 $0x0, s21;
	[sflag:s23] =	ssyncset.done $0x0  }
0xa2: {  	[sflag:s23] =	ssyncadd.s32 s6;
	_ =	sdelay $0x1  }
0xa3: {  	s24 =	simm.s32 $0x1B8B  }
0xa4: {  	_ =	swait.ge [sflag:s24], $0x1  }
0xa5: {  	[sflag:s24] =	ssyncset.done $0x0  }
0xa6: {  	s25 =	simm.s32 $0x1B8E;
	[sflag:s24] =	ssyncadd.s32 $0xFFFFFFFF  }
0xa7: {  	s26 =	simm.s32 $execute0_lowered;
	[smem:$0x3FD2] =	sst s25  }
0xa8: {  	s6 =	sshll.u32 s26, $0x1;
	_ =	strace $0x80000046;
	[dreg:$0x1] =	wrdreg $0xFFFFFFFF  }
0xa9: {  	s28 =	simm.s32 $_size_execute0_lowered;
	s5 =	sadd.s32 s5, s6;
	[dreg:$0x0] =	wrdreg $0x0  }
0xaa: {  	s6 =	sshll.u32 s28, $0x1;
	[dreg:$0x2] =	wrdreg s5  }
0xab: {  	[dreg:$0x3] =	wrdreg s6  }
0xac: {  	[dreg:$0x4] =	wrdreg $0xC0  }
0xad: {  	_ =	task [dreg:s9], $0x5FFFF  }
0xae: {  	[dreg:$0x1] =	wrdreg $0xFFFFFFFF  }
0xaf: {  	[dreg:$0x0] =	wrdreg $0x60  }
0xb0: {  	[dreg:$0x2] =	wrdreg s2  }
0xb1: {  	[dreg:$0x3] =	wrdreg s19  }
0xb2: {  	[dreg:$0x4] =	wrdreg s4  }
0xb3: {  	[dreg:$0x5] =	wrdreg $0x104000  }
0xb4: {  	[dreg:$0x6] =	wrdreg $0x9  }
0xb5: {  	_ =	task.clear_ibuf [dreg:s9], $0x7FFFF;
	_ =	strace $0x90000046  }
0xb6: {  	s29 =	simm.s32 $0x9;
	_ =	strace $0x80000048  }
0xb7: {  	_ =	swait.ge [sflag:s29], $0x1  }
0xb8: {  	[sflag:s29] =	ssyncadd.s32 $0xFFFFFFFF  }
0xb9: {  	_ =	strace $0x90000048  }
0xba: {  	_ =	sfence  }
0xbb: {  	s30 =	sld [smem:$0x0];
	_ =	sdelay $0x2  }
0xbc: {  	s31 =	sshll.u32 s1, $0xD;
	s1 =	sshrl.u32 s1, $0x2  }
0xbd: {  	s3 =	sand.u32 $0x4000, s31;
	s1 =	sadd.s32 s1, s30  }
0xbe: {  	s0 =	sor.u32 s3, s0;
	s1 =	sshll.u32 s1, $0x11  }
0xbf: {  	s0 =	sor.u32 s1, s0  }
0xc0: {  	s0 =	sadd.s32 $0x8F2B, s0  }
0xc1: {  	[sflag:s0] =	ssyncadd.remote.s32 $0x1  }
0xc2: {  	_ =	sfence.sel $0xFFFF  }
0xc3: {  	[dreg:$0x0] =	wrdreg $0xFFFFFFFF;
	(pc) =	sbr.abs _section_cstart, $3  }
0xc4: {  	[dreg:$0x1] =	wrdreg $0xFFFFFFFF  }
0xc5: {  	_ =	task.clear_ibuf [dreg:s9], $0x2FFFF;
	_ =	strace $0x9FFFFFFF  }
0xc6: {  	(tm) =	ssettm $0x7FFFFFFF  }
0xc7: {  	_ =	shalt  }
tec
execute0_lowered:
.L_overlay_start_1:
0x0: {  	(tag) =	ssettag $0x1  }
0x1: {  	s0 =	rddreg [dreg:$0x0]  }
0x2: {  	s1 =	srdreg.scid;
	s2 =	rddreg [dreg:$0x1]  }
0x3: {  	s12 =	stileid.u32;
	s13 =	rddreg [dreg:$0x2]  }
0x4: {  	s4 =	simm.s32 $0x0;
	s29 =	simm.s32 $0x1;
	s7 =	smul.u32 $0x19000, s12  }
0x5: {  	s30 =	simm.s32 $0x2;
	s31 =	simm.s32 $0x2400;
	s8 =	smul.u32 $0xC80, s12  }
0x6: {  	s28 =	simm.s32 $0x8400;
	s1 =	sand.u32 $0x1, s1;
	s11 =	smul.u32 $0x640000, s12  }
0x7: {  	s3 =	sshll.u32 s12, $0x1;
	[smem:$0x7FF] =	sst s4;
	s26 =	smul.u32 $0xC800, s12  }
0x8: {  	p0 =	sgt.u32 s12, $0x4;
	s12 =	simm.s32 $0xA400;
	s24 =	smul.u32 $0x320000, s1  }
0x9: {  	s5 =	sor.u32 s1, s3;
	s9 =	ssub.s32 $0x2, s1;
	s1 =	smul.u32 $0x6400, s1  }
0xa: {  	s3 =	rddreg [dreg:$0x3];
	_ =	strace $0x80000047;
	s6 =	smul.u32 $0x6400, s5  }
0xb: {  	s5 =	smul.u32 $0x320000, s5;
	s10 =	sshrl.u32 s9, $0x1;
	s7 =	sshrl.u32 s7, $0x2  }
0xc: {  	s2 =	sadd.s32 s2, s8;
	s8 =	sadd.s32 $0x38, s0;
	s9 =	ssub.s32 s9, s10  }
0xd: {  	s7 =	sadd.s32 s7, s3;
	[dreg:$0x5] =	wrdreg s2;
	s1 =	sadd.s32 s1, s26  }
0xe: {  	s10 =	simm.s32 $0x6;
	s25 =	sshrl.u32 s6, $0x3;
	s5 =	sshrl.u32 s5, $0x3  }
0xf: {  	s6 =	sor.u32 $0x380, s1;
	s16 =	sor.u32 $0x340, s1;
	s19 =	sor.u32 $0x300, s1  }
0x10: {  	s21 =	sor.u32 $0x2C0, s1;
	s26 =	sor.u32 $0x200, s1;
	s14 =	sadd.s32 s0, s25  }
0x11: {  	s2 =	sadd.s32 s25, s8;
	s5 =	sadd.s32 s13, s5;
	s15 =	sshrl.u32 s6, $0x3  }
0x12: {  	s6 =	sshrl.u32 s16, $0x3;
	s22 =	sshrl.u32 s21, $0x3;
	[dreg:$0x7] =	wrdreg s2  }
0x13: {  	s25 =	sor.u32 $0x240, s1;
	s2 =	sadd.s32 $0x63C00, s5;
	[dreg:$0x6] =	wrdreg s14  }
0x14: {  	s18 =	sadd.s32 s6, s0;
	s21 =	sadd.s32 $0x8, s14;
	[dreg:$0x8] =	wrdreg s2  }
0x15: {  	s2 =	sadd.s32 s24, s11;
	s11 =	smax.u32 s9, $0x1;
	[dreg:$0xd] =	wrdreg s18  }
0x16: {  	s24 =	sor.u32 $0x280, s1;
	[dreg:$0x1b] =	wrdreg s21;
	s9 =	simm.s32 $0x6400  }
0x17: {  	s21 =	simm.s32 $0x0;
	[dreg:$0x9] =	wrdreg s11;
	s13 =	sor.u32 $0xC000, s2  }
0x18: {  	s17 =	sor.u32 $0xA000, s2;
	s11 =	sshrl.u32 s25, $0x3;
	s25 =	sadd.s32 $0x28, s14  }
0x19: {  	s20 =	sor.u32 $0x8000, s2;
	s5 =	sshrl.u32 s13, $0x3;
	[dreg:$0x1f] =	wrdreg s25  }
0x1a: {  	s23 =	sor.u32 $0x6000, s2;
	s6 =	sshrl.u32 s20, $0x3;
	[dreg:$0xa] =	wrdreg s5  }
0x1b: {  	s16 =	sor.u32 $0x4000, s2;
	s18 =	sshrl.u32 s23, $0x3;
	[dreg:$0xe] =	wrdreg s6  }
0x1c: {  	s13 =	sshrl.u32 s26, $0x3;
	s20 =	sadd.s32 $0xFFFFE000, s2;
	[dreg:$0x15] =	wrdreg s18  }
0x1d: {  	s23 =	sadd.s32 $0x18, s14;
	s26 =	sadd.s32 $0x30, s14;
	[dreg:$0x19] =	wrdreg s20  }
0x1e: {  	s25 =	simm.s32 $0x300;
	s5 =	sadd.s32 s15, s0;
	[dreg:$0x1d] =	wrdreg s23  }
0x1f: {  	s15 =	sshrl.u32 s1, $0x3;
	s1 =	sshrl.u32 s16, $0x3;
	[smem:$0x7FD] =	sst s26  }
0x20: {  	s6 =	simm.s32 $0x40;
	s26 =	simm.s32 $0xB;
	[dreg:$0xb] =	wrdreg s5  }
0x21: {  	s16 =	simm.s32 $0xE;
	s5 =	sshrl.u32 s17, $0x3;
	[dreg:$0x16] =	wrdreg s1  }
0x22: {  	[dreg:$0xc] =	wrdreg s5;
	s5 =	sshrl.u32 s19, $0x3;
	s19 =	sshrl.u32 s2, $0x3  }
0x23: {  	s18 =	simm.s32 $0xF;
	s5 =	sadd.s32 s5, s0;
	[dreg:$0x18] =	wrdreg s19  }
0x24: {  	s17 =	sor.u32 $0x2000, s2;
	[dreg:$0xf] =	wrdreg s5;
	s5 =	sadd.s32 s22, s0  }
0x25: {  	s1 =	simm.s32 $0x9;
	s22 =	sadd.s32 $0x10, s14;
	[dreg:$0x10] =	wrdreg s5  }
0x26: {  	s5 =	sshrl.u32 s24, $0x3;
	[dreg:$0x1c] =	wrdreg s22;
	s24 =	sadd.s32 $0x20, s14  }
0x27: {  	s2 =	simm.s32 $0x3;
	s5 =	sadd.s32 s5, s0;
	[dreg:$0x1e] =	wrdreg s24  }
0x28: {  	s14 =	simm.s32 $0x7;
	[dreg:$0x11] =	wrdreg s5;
	s5 =	sadd.s32 s11, s0  }
0x29: {  	s0 =	sadd.s32 s13, s0;
	s11 =	simm.s32 $0xC;
	[dreg:$0x12] =	wrdreg s5  }
.Ltmp0:
0x2a: {  	s13 =	simm.s32 $0xD;
	[dreg:$0x13] =	wrdreg s0;
	(pc) =	sbr.rel .LBB2_1-.Ltmp0, $4  }
0x2b: {  	s0 =	sadd.s32 s15, s8;
	s5 =	simm.s32 $0x4400;
	s8 =	simm.s32 $0x4  }
0x2c: {  	s15 =	simm.s32 $0xC400;
	[dreg:$0x14] =	wrdreg s0;
	s0 =	sshrl.u32 s17, $0x3  }
0x2d: {  	s17 =	simm.s32 $0x8;
	[dreg:$0x17] =	wrdreg s0;
	s0 =	sshrl.u32 @!p0 s7, $0x3  }
0x2e: {  	s7 =	simm.s32 $0xA;
	[dreg:$0x1a] =	wrdreg s0;
	s0 =	simm.s32 $0x5  }
.LBB2_4:
0x2f: {  	s19 =	simm.s32 $0x10  }
0x30: {  	_ =	swait.ge [sflag:s19], $0x2000  }
0x31: {  	s20 =	simm.s32 $0xE400;
	[sflag:s19] =	ssyncset.done $0x0  }
0x32: {  	s21 =	simm.s32 $0x11;
	s24 =	rddreg [dreg:$0x8];
	[sflag:s19] =	ssyncadd.s32 $0xFFFFE000  }
0x33: {  	[hbm4b:s24+s4] =	stream.linear.scatter [tilespmem:s20], [sflag:$0x18], $0x2000, $0x38;
	[tilespmem:$0x12340] =	vst v63  }
0x34: {  	_ =	swait.ge [sflag:s21], $0x2000  }
0x35: {  	[sflag:s21] =	ssyncset.done $0x0  }
0x36: {  	s22 =	simm.s32 $0x12;
	[sflag:s21] =	ssyncadd.s32 $0xFFFFE000  }
0x37: {  	_ =	swait.ge [sflag:s22], $0x2000  }
0x38: {  	[sflag:s22] =	ssyncset.done $0x0  }
0x39: {  	s23 =	simm.s32 $0x13;
	[sflag:s22] =	ssyncadd.s32 $0xFFFFE000  }
0x3a: {  	_ =	swait.ge [sflag:s23], $0x2000  }
0x3b: {  	[sflag:s23] =	ssyncset.done $0x0  }
0x3c: {  	s24 =	simm.s32 $0x14;
	[sflag:s23] =	ssyncadd.s32 $0xFFFFE000  }
0x3d: {  	_ =	swait.ge [sflag:s24], $0x2000  }
0x3e: {  	[sflag:s24] =	ssyncset.done $0x0  }
0x3f: {  	s20 =	simm.s32 $0x15;
	[sflag:s24] =	ssyncadd.s32 $0xFFFFE000  }
0x40: {  	_ =	swait.ge [sflag:s20], $0x2000  }
0x41: {  	[sflag:s20] =	ssyncset.done $0x0  }
0x42: {  	s21 =	simm.s32 $0x16;
	[sflag:s20] =	ssyncadd.s32 $0xFFFFE000  }
0x43: {  	_ =	swait.ge [sflag:s21], $0x2000  }
0x44: {  	[sflag:s21] =	ssyncset.done $0x0  }
0x45: {  	s22 =	simm.s32 $0x17;
	[sflag:s21] =	ssyncadd.s32 $0xFFFFE000  }
0x46: {  	_ =	swait.ge [sflag:s22], $0x2000  }
0x47: {  	[sflag:s22] =	ssyncset.done $0x0  }
0x48: {  	s23 =	simm.s32 $0x18;
	[sflag:s22] =	ssyncadd.s32 $0xFFFFE000  }
0x49: {  	_ =	swait.ge [sflag:s23], $0x2000  }
0x4a: {  	s21 =	sld [smem:$0x7FC];
	_ =	sdelay $0x2  }
0x4b: {  	s24 =	rddreg [dreg:$0x9];
	s21 =	sadd.s32 $0x1, s21  }
0x4c: {  	p1 =	sne.s32 s21, s24  }
.Ltmp1:
0x4d: {  	_ = 	snop;
	(pc) =	sbr.rel @!p1 .LBB2_5-.Ltmp1, $3  }
0x4e: {  	_ =	sdelay $0x1  }
0x4f: {  	[sflag:s23] =	ssyncset.done $0x0  }
0x50: {  	[sflag:s23] =	ssyncadd.s32 $0xFFFFE000  }
.LBB2_1:
0x51: {  	[smem:$0x7FC] =	sst s21;
	s19 =	stileid.u32  }
0x52: {  	s20 =	rddreg [dreg:$0x5];
	s19 =	sshll.u32 @!p0 s19, $0x6  }
0x53: {  	s21 =	rddreg [dreg:$0x1a];
	s19 =	sor.u32 @!p0 $0x1C19, s19  }
0x54: {  	[spmem:s21], [sflag:s19] =	dma.local @!p0 [hbm:s20], $0xC80  }
0x55: {  	s19 =	simm.s32 @!p0 $0x19  }
0x56: {  	_ =	swait.ge @!p0 [sflag:s19], $0xC80  }
0x57: {  	[sflag:s19] =	ssyncset.done @!p0 $0x0  }
0x58: {  	[sflag:s19] =	ssyncadd.s32 @!p0 $0xFFFFF380  }
0x59: {  	[bflag:$0x0] =	sbarrier.arrive $0xFFFF  }
0x5a: {  	s20 =	rddreg [dreg:$0x6]  }
0x5b: {  	s21 =	rddreg [dreg:$0x1b]  }
0x5c: {  	s23 =	rddreg [dreg:$0x1c]  }
0x5d: {  	[tilespmem:s4], [sflag:$0x1] =	stream.linear.gather [hbm4b:s20+s4], $0x40, $0x38;
	[tilespmem:$0x12340] =	vst v63  }
0x5e: {  	s22 =	simm.s32 $0x80;
	s19 =	rddreg [dreg:$0x19]  }
0x5f: {  	[tilespmem:s22], [sflag:$0x2] =	stream.linear.gather [hbm4b:s21+s4], $0x40, $0x38;
	[tilespmem:$0x12340] =	vst v63  }
0x60: {  	s24 =	simm.s32 $0x100;
	s20 =	rddreg [dreg:$0x1f]  }
0x61: {  	[tilespmem:s24], [sflag:$0x3] =	stream.linear.gather [hbm4b:s23+s4], $0x40, $0x38;
	[tilespmem:$0x12340] =	vst v63  }
0x62: {  	s21 =	rddreg [dreg:$0x1d];
	s22 =	simm.s32 $0x180  }
0x63: {  	[tilespmem:s22], [sflag:$0x4] =	stream.linear.gather [hbm4b:s21+s4], $0x40, $0x38;
	[tilespmem:$0x12340] =	vst v63  }
0x64: {  	s23 =	rddreg [dreg:$0x1e];
	s24 =	simm.s32 $0x200  }
0x65: {  	[tilespmem:s24], [sflag:$0x5] =	stream.linear.gather [hbm4b:s23+s4], $0x40, $0x38;
	[tilespmem:$0x12340] =	vst v63  }
0x66: {  	s21 =	simm.s32 $0x280;
	s22 =	sld [smem:$0x7FD]  }
0x67: {  	[tilespmem:s21], [sflag:$0x6] =	stream.linear.gather [hbm4b:s20+s4], $0x40, $0x38;
	[tilespmem:$0x12340] =	vst v63  }
0x68: {  	s23 =	rddreg [dreg:$0x7]  }
0x69: {  	[tilespmem:s25], [sflag:$0x7] =	stream.linear.gather [hbm4b:s22+s4], $0x40, $0x38;
	[tilespmem:$0x12340] =	vst v63  }
0x6a: {  	s24 =	simm.s32 $0x380;
	s20 =	simm.s32 $0x0;
	s21 =	rddreg [dreg:$0x2]  }
0x6b: {  	[tilespmem:s24], [sflag:$0x8] =	stream.linear.gather [hbm4b:s23+s4], $0x40, $0x38;
	[tilespmem:$0x12340] =	vst v63  }
.LBB2_2:
0x6c: {  	_ =	swait.ge [sflag:s29], $0x40;
	p1 =	seq.s32 s20, $0x0  }
0x6d: {  	[sflag:s29] =	ssyncset.done $0x0;
	s22 =	simm.s32 @p1 $0x40  }
0x6e: {  	s23 =	simm.s32 @p1 $0x0;
	s24 =	simm.s32 @p1 $0x400;
	[sflag:s29] =	ssyncadd.s32 $0xFFFFFFC0  }
0x6f: {  	[tilespmem:s24], [sflag:$0x9] =	stream.indirect.gather @p1 [spmem:s3], $0x80, s23, s22, $0xb8;
	[tilespmem:$0x12340] =	vst v63  }
0x70: {  	s22 =	simm.s32 @!p1 $0x11  }
0x71: {  	_ =	swait.ge @!p1 [sflag:s22], $0x2000  }
0x72: {  	s23 =	simm.s32 @!p1 $0x0;
	[sflag:s22] =	ssyncset.done @!p1 $0x0  }
0x73: {  	s24 =	simm.s32 @!p1 $0x400;
	[sflag:s22] =	ssyncadd.s32 @!p1 $0xFFFFE000;
	s22 =	simm.s32 @!p1 $0x40  }
0x74: {  	[tilespmem:s24], [sflag:$0x9] =	stream.indirect.gather @!p1 [spmem:s3], $0x80, s23, s22, $0xb8;
	[tilespmem:$0x12340] =	vst v63  }
0x75: {  	s22 =	simm.s32 @!p1 $0x10  }
0x76: {  	_ =	swait.ge @!p1 [sflag:s22], $0x2000  }
0x77: {  	[sflag:s22] =	ssyncset.done @!p1 $0x0  }
0x78: {  	[sflag:s22] =	ssyncadd.s32 @!p1 $0xFFFFE000  }
0x79: {  	s24 =	sshrl.u32 @!p1 s19, $0x3;
	s22 =	rddreg [dreg:$0x2]  }
0x7a: {  	s22 =	sadd.s32 @!p1 s22, s24;
	s24 =	simm.s32 @!p1 $0xE400  }
0x7b: {  	[hbm4b:s22+s23] =	stream.linear.scatter @!p1 [tilespmem:s24], [sflag:$0x18], $0x2000, $0x38;
	[tilespmem:$0x12340] =	vst v63  }
0x7c: {  	s22 =	rddreg [dreg:$0x14]  }
0x7d: {  	s24 =	simm.s32 @!p1 $0x380;
	s22 =	sadd.s32 @!p1 s20, s22  }
0x7e: {  	[tilespmem:s24], [sflag:$0x8] =	stream.linear.gather @!p1 [hbm4b:s22+s23], $0x40, $0x38;
	[tilespmem:$0x12340] =	vst v63  }
0x7f: {  	_ =	swait.ge [sflag:s30], $0x40  }
0x80: {  	[sflag:s30] =	ssyncset.done $0x0  }
0x81: {  	s22 =	simm.s32 @!p1 $0x12;
	[sflag:s30] =	ssyncadd.s32 $0xFFFFFFC0  }
0x82: {  	_ =	swait.ge @!p1 [sflag:s22], $0x2000  }
0x83: {  	[sflag:s22] =	ssyncset.done @!p1 $0x0  }
0x84: {  	s24 =	simm.s32 $0x80;
	[sflag:s22] =	ssyncadd.s32 @!p1 $0xFFFFE000  }
0x85: {  	[tilespmem:s31], [sflag:$0xA] =	stream.indirect.gather [spmem:s3], $0x80, s24, s6, $0xb8;
	[tilespmem:$0x12340] =	vst v63  }
0x86: {  	_ =	swait.ge [sflag:s1], $0x2000  }
0x87: {  	[sflag:s1] =	ssyncset.done $0x0;
	s23 =	rddreg [dreg:$0x18]  }
0x88: {  	s24 =	simm.s32 $0x400;
	[sflag:s1] =	ssyncadd.s32 $0xFFFFE000;
	s22 =	sadd.s32 s21, s23  }
0x89: {  	[hbm4b:s22+s4] =	stream.linear.scatter [tilespmem:s24], [sflag:$0x11], $0x2000, $0x38;
	[tilespmem:$0x12340] =	vst v63  }
0x8a: {  	p2 =	seq.s32 s20, $0xC40;
	s22 =	rddreg [dreg:$0x13]  }
0x8b: {  	s23 =	sadd.s32 @!p2 s20, s22;
	s22 =	simm.s32 @!p2 $0x0  }
0x8c: {  	[tilespmem:s22], [sflag:$0x1] =	stream.linear.gather @!p2 [hbm4b:s23+s22], $0x40, $0x38;
	[tilespmem:$0x12340] =	vst v63  }
0x8d: {  	_ =	swait.ge [sflag:s2], $0x40  }
0x8e: {  	[sflag:s2] =	ssyncset.done $0x0  }
0x8f: {  	s23 =	simm.s32 @!p1 $0x13;
	[sflag:s2] =	ssyncadd.s32 $0xFFFFFFC0  }
0x90: {  	_ =	swait.ge @!p1 [sflag:s23], $0x2000  }
0x91: {  	[sflag:s23] =	ssyncset.done @!p1 $0x0  }
0x92: {  	s24 =	simm.s32 $0x100;
	[sflag:s23] =	ssyncadd.s32 @!p1 $0xFFFFE000  }
0x93: {  	[tilespmem:s5], [sflag:$0xB] =	stream.indirect.gather [spmem:s3], $0x80, s24, s6, $0xb8;
	[tilespmem:$0x12340] =	vst v63  }
0x94: {  	_ =	swait.ge [sflag:s7], $0x2000  }
0x95: {  	[sflag:s7] =	ssyncset.done $0x0;
	s24 =	rddreg [dreg:$0x17]  }
0x96: {  	[sflag:s7] =	ssyncadd.s32 $0xFFFFE000;
	s23 =	sadd.s32 s21, s24  }
0x97: {  	[hbm4b:s23+s4] =	stream.linear.scatter [tilespmem:s31], [sflag:$0x12], $0x2000, $0x38;
	[tilespmem:$0x12340] =	vst v63  }
0x98: {  	s23 =	rddreg [dreg:$0x12]  }
0x99: {  	s24 =	simm.s32 @!p2 $0x80;
	s23 =	sadd.s32 @!p2 s20, s23  }
0x9a: {  	[tilespmem:s24], [sflag:$0x2] =	stream.linear.gather @!p2 [hbm4b:s23+s22], $0x40, $0x38;
	[tilespmem:$0x12340] =	vst v63  }
0x9b: {  	_ =	swait.ge [sflag:s8], $0x40  }
0x9c: {  	[sflag:s8] =	ssyncset.done $0x0  }
0x9d: {  	s23 =	simm.s32 @!p1 $0x14;
	[sflag:s8] =	ssyncadd.s32 $0xFFFFFFC0  }
0x9e: {  	_ =	swait.ge @!p1 [sflag:s23], $0x2000  }
0x9f: {  	[sflag:s23] =	ssyncset.done @!p1 $0x0  }
0xa0: {  	s24 =	simm.s32 $0x180;
	[sflag:s23] =	ssyncadd.s32 @!p1 $0xFFFFE000  }
0xa1: {  	[tilespmem:s9], [sflag:$0xC] =	stream.indirect.gather [spmem:s3], $0x80, s24, s6, $0xb8;
	[tilespmem:$0x12340] =	vst v63  }
0xa2: {  	_ =	swait.ge [sflag:s26], $0x2000  }
0xa3: {  	[sflag:s26] =	ssyncset.done $0x0;
	s24 =	rddreg [dreg:$0x16]  }
0xa4: {  	[sflag:s26] =	ssyncadd.s32 $0xFFFFE000;
	s23 =	sadd.s32 s21, s24  }
0xa5: {  	[hbm4b:s23+s4] =	stream.linear.scatter [tilespmem:s5], [sflag:$0x13], $0x2000, $0x38;
	[tilespmem:$0x12340] =	vst v63  }
0xa6: {  	s23 =	rddreg [dreg:$0x11]  }
0xa7: {  	s24 =	simm.s32 @!p2 $0x100;
	s23 =	sadd.s32 @!p2 s20, s23  }
0xa8: {  	[tilespmem:s24], [sflag:$0x3] =	stream.linear.gather @!p2 [hbm4b:s23+s22], $0x40, $0x38;
	[tilespmem:$0x12340] =	vst v63  }
0xa9: {  	_ =	swait.ge [sflag:s0], $0x40  }
0xaa: {  	[sflag:s0] =	ssyncset.done $0x0  }
0xab: {  	s23 =	simm.s32 @!p1 $0x15;
	[sflag:s0] =	ssyncadd.s32 $0xFFFFFFC0  }
0xac: {  	_ =	swait.ge @!p1 [sflag:s23], $0x2000  }
0xad: {  	[sflag:s23] =	ssyncset.done @!p1 $0x0  }
0xae: {  	s24 =	simm.s32 $0x200;
	[sflag:s23] =	ssyncadd.s32 @!p1 $0xFFFFE000  }
0xaf: {  	[tilespmem:s28], [sflag:$0xD] =	stream.indirect.gather [spmem:s3], $0x80, s24, s6, $0xb8;
	[tilespmem:$0x12340] =	vst v63  }
0xb0: {  	_ =	swait.ge [sflag:s11], $0x2000  }
0xb1: {  	[sflag:s11] =	ssyncset.done $0x0;
	s24 =	rddreg [dreg:$0x15]  }
0xb2: {  	[sflag:s11] =	ssyncadd.s32 $0xFFFFE000;
	s23 =	sadd.s32 s21, s24  }
0xb3: {  	[hbm4b:s23+s4] =	stream.linear.scatter [tilespmem:s9], [sflag:$0x14], $0x2000, $0x38;
	[tilespmem:$0x12340] =	vst v63  }
0xb4: {  	s23 =	rddreg [dreg:$0x10]  }
0xb5: {  	s24 =	simm.s32 @!p2 $0x180;
	s23 =	sadd.s32 @!p2 s20, s23  }
0xb6: {  	[tilespmem:s24], [sflag:$0x4] =	stream.linear.gather @!p2 [hbm4b:s23+s22], $0x40, $0x38;
	[tilespmem:$0x12340] =	vst v63  }
0xb7: {  	_ =	swait.ge [sflag:s10], $0x40  }
0xb8: {  	[sflag:s10] =	ssyncset.done $0x0  }
0xb9: {  	s23 =	simm.s32 @!p1 $0x16;
	[sflag:s10] =	ssyncadd.s32 $0xFFFFFFC0  }
0xba: {  	_ =	swait.ge @!p1 [sflag:s23], $0x2000  }
0xbb: {  	[sflag:s23] =	ssyncset.done @!p1 $0x0  }
0xbc: {  	s24 =	simm.s32 $0x280;
	[sflag:s23] =	ssyncadd.s32 @!p1 $0xFFFFE000  }
0xbd: {  	[tilespmem:s12], [sflag:$0xE] =	stream.indirect.gather [spmem:s3], $0x80, s24, s6, $0xb8;
	[tilespmem:$0x12340] =	vst v63  }
0xbe: {  	_ =	swait.ge [sflag:s13], $0x2000  }
0xbf: {  	[sflag:s13] =	ssyncset.done $0x0;
	s24 =	rddreg [dreg:$0xe]  }
0xc0: {  	[sflag:s13] =	ssyncadd.s32 $0xFFFFE000;
	s23 =	sadd.s32 s21, s24  }
0xc1: {  	[hbm4b:s23+s4] =	stream.linear.scatter [tilespmem:s28], [sflag:$0x15], $0x2000, $0x38;
	[tilespmem:$0x12340] =	vst v63  }
0xc2: {  	s23 =	rddreg [dreg:$0xf]  }
0xc3: {  	s24 =	simm.s32 @!p2 $0x200;
	s23 =	sadd.s32 @!p2 s20, s23  }
0xc4: {  	[tilespmem:s24], [sflag:$0x5] =	stream.linear.gather @!p2 [hbm4b:s23+s22], $0x40, $0x38;
	[tilespmem:$0x12340] =	vst v63  }
0xc5: {  	_ =	swait.ge [sflag:s14], $0x40  }
0xc6: {  	[sflag:s14] =	ssyncset.done $0x0  }
0xc7: {  	s23 =	simm.s32 @!p1 $0x17;
	[sflag:s14] =	ssyncadd.s32 $0xFFFFFFC0  }
0xc8: {  	_ =	swait.ge @!p1 [sflag:s23], $0x2000  }
0xc9: {  	[sflag:s23] =	ssyncset.done @!p1 $0x0  }
0xca: {  	[sflag:s23] =	ssyncadd.s32 @!p1 $0xFFFFE000  }
0xcb: {  	[tilespmem:s15], [sflag:$0xF] =	stream.indirect.gather [spmem:s3], $0x80, s25, s6, $0xb8;
	[tilespmem:$0x12340] =	vst v63  }
0xcc: {  	_ =	swait.ge [sflag:s16], $0x2000  }
0xcd: {  	[sflag:s16] =	ssyncset.done $0x0;
	s24 =	rddreg [dreg:$0xc]  }
0xce: {  	[sflag:s16] =	ssyncadd.s32 $0xFFFFE000;
	s23 =	sadd.s32 s21, s24  }
0xcf: {  	[hbm4b:s23+s4] =	stream.linear.scatter [tilespmem:s12], [sflag:$0x16], $0x2000, $0x38;
	[tilespmem:$0x12340] =	vst v63  }
0xd0: {  	s23 =	rddreg [dreg:$0xd]  }
0xd1: {  	s24 =	simm.s32 @!p2 $0x280;
	s23 =	sadd.s32 @!p2 s20, s23  }
0xd2: {  	[tilespmem:s24], [sflag:$0x6] =	stream.linear.gather @!p2 [hbm4b:s23+s22], $0x40, $0x38;
	[tilespmem:$0x12340] =	vst v63  }
0xd3: {  	_ =	swait.ge [sflag:s17], $0x40  }
0xd4: {  	[sflag:s17] =	ssyncset.done $0x0  }
0xd5: {  	s22 =	simm.s32 @!p1 $0x18;
	[sflag:s17] =	ssyncadd.s32 $0xFFFFFFC0  }
0xd6: {  	_ =	swait.ge @!p1 [sflag:s22], $0x2000  }
0xd7: {  	[sflag:s22] =	ssyncset.done @!p1 $0x0  }
0xd8: {  	s23 =	simm.s32 $0x380;
	s24 =	simm.s32 $0xE400;
	[sflag:s22] =	ssyncadd.s32 @!p1 $0xFFFFE000  }
0xd9: {  	[tilespmem:s24], [sflag:$0x10] =	stream.indirect.gather [spmem:s3], $0x80, s23, s6, $0xb8;
	[tilespmem:$0x12340] =	vst v63  }
.Ltmp2:
0xda: {  	_ = 	snop;
	(pc) =	sbr.rel @p2 .LBB2_4-.Ltmp2, $4  }
0xdb: {  	_ =	swait.ge [sflag:s18], $0x2000  }
0xdc: {  	[sflag:s18] =	ssyncset.done $0x0;
	s24 =	rddreg [dreg:$0xa]  }
0xdd: {  	[sflag:s18] =	ssyncadd.s32 $0xFFFFE000;
	s22 =	sadd.s32 s21, s24  }
0xde: {  	[hbm4b:s22+s4] =	stream.linear.scatter [tilespmem:s15], [sflag:$0x17], $0x2000, $0x38;
	[tilespmem:$0x12340] =	vst v63  }
.Ltmp3:
0xdf: {  	(pc) =	sbr.rel .LBB2_2-.Ltmp3, $4  }
0xe0: {  	_ = 	snop  }
0xe1: {  	s22 =	rddreg [dreg:$0xb];
	s21 =	sadd.s32 $0x2000, s21  }
0xe2: {  	s19 =	sadd.s32 $0x10000, s19;
	s22 =	sadd.s32 s20, s22;
	s20 =	sadd.s32 $0x40, s20  }
0xe3: {  	[tilespmem:s25], [sflag:$0x7] =	stream.linear.gather [hbm4b:s22+s4], $0x40, $0x38;
	[tilespmem:$0x12340] =	vst v63  }
.LBB2_5:
0xe4: {  	_ =	sfence.sel $0x180000  }
0xe5: {  	[bflag:$0x0] =	sbarrier.arrive $0xFFFF  }
0xe6: {  	_ =	strace $0x90000047  }
0xe7: {  	s0 =	stileid.u32;
	[bflag:$0x2] =	sbarrier.arrive $0xFFFF  }
0xe8: {  	p0 =	sne.s32 s0, $0x0;
	s0 =	rddreg [dreg:$0x4]  }
0xe9: {  	s0 =	sadd.s32 @!p0 $0x100000, s0  }
0xea: {  	[sflag:s0] =	ssyncadd.tile.s32 @!p0 $0x1;
	_ =	shalt  }
.Lfunc_end2:
_tile_overlayer_lowered:
.L_overlay_start_2:
0xeb: {  	(tag) =	ssettag $0x2  }
0xec: {  	s0 =	rddreg [dreg:$0x0];
	s2 =	stileid.u32  }
0xed: {  	s1 =	rddreg [dreg:$0x1];
	p0 =	sne.s32 s2, $0x0  }
0xee: {  	s3 =	rddreg [dreg:$0x2];
	[bflag:$0x3] =	sbarrier.arrive $0xFFFF;
	s2 =	simm.s32 @!p0 $0x1C19  }
0xef: {  	[timem:s3], [sflag:s2] =	dma.local @!p0 [hbm:s0], s1  }
0xf0: {  	s0 =	simm.s32 @!p0 $0x19  }
0xf1: {  	_ =	swait.ge @!p0 [sflag:s0], s1  }
0xf2: {  	s1 =	ssub.s32 @!p0 $0x0, s1;
	[sflag:s0] =	ssyncset.done @!p0 $0x0  }
0xf3: {  	[sflag:s0] =	ssyncadd.s32 @!p0 s1  }
0xf4: {  	[bflag:$0x3] =	sbarrier.arrive $0xFFFF  }
0xf5: {  	_ =	shalt  }

</sc_bundles>
